<compile_context>
chip_gen: v7x
topology: tpu7x:2x2x1
jax: 0.10.2.dev20260603
libtpu: 0.0.44.dev20260713+nightly
codegen_flags: <defaults>
</compile_context>

<pallas_src>
import functools

import jax
import jax.numpy as jnp
from jax import lax
from jax.experimental import pallas as pl
from jax.experimental.pallas import tpu as pltpu
from jax.experimental.pallas import tpu_sc as plsc

N = 10000
E = 320000
EMB = 128
HID = 128
HEADS = 8
REPR = 64

NW = 32
CHUNK = 125
NCH = E // NW // CHUNK
ROWS_PER_TILE = N // 16

NEG = -1e30



_BN = 1000


def _pre_body(x_ref, w1_ref, as_ref, ad_ref, g_ref, d_ref):
    h = jnp.dot(x_ref[...], w1_ref[...], preferred_element_type=jnp.float32)
    g_ref[:, 0:HID] = h
    pad = jnp.where(lax.broadcasted_iota(jnp.int32, (_BN, 16), 1) < HEADS,
                    0.0, NEG)
    g_ref[:, HID:HID + 16] = (
        jnp.dot(h, as_ref[...], preferred_element_type=jnp.float32) + pad)
    d_ref[...] = jnp.dot(h, ad_ref[...], preferred_element_type=jnp.float32)


def _mid_body(u_ref, rd_ref, b1_ref, w2_ref, ws_ref, wd_ref, g_ref, d_ref):
    u = u_ref[0] + u_ref[1]
    denr = jnp.dot(u, rd_ref[...], preferred_element_type=jnp.float32)
    x = u[:, 0:HID] / (denr + 1e-16) + b1_ref[...]
    x1 = jnp.where(x > 0, x, jnp.exp(jnp.minimum(x, 0.0)) - 1.0)
    g_ref[:, 0:REPR] = jnp.dot(x1, w2_ref[...],
                               preferred_element_type=jnp.float32)
    pad = jnp.where(lax.broadcasted_iota(jnp.int32, (_BN, 16), 1) < 1,
                    0.0, NEG)
    g_ref[:, REPR:REPR + 16] = (
        jnp.dot(x1, ws_ref[...], preferred_element_type=jnp.float32) + pad)
    d_ref[...] = jnp.dot(x1, wd_ref[...], preferred_element_type=jnp.float32)


def _post_body(u_ref, rd_ref, b2_ref, o_ref):
    u = u_ref[0] + u_ref[1]
    denr = jnp.dot(u, rd_ref[...], preferred_element_type=jnp.float32)
    o_ref[...] = u[:, 0:REPR] / (denr + 1e-16) + b2_ref[...]


def _full(shape):
    return pl.BlockSpec(shape, lambda i: tuple(0 for _ in shape))


def _tc_pre(x, w1, a_s16, a_d16):
    return pl.pallas_call(
        _pre_body,
        grid=(N // _BN,),
        in_specs=[pl.BlockSpec((_BN, EMB), lambda i: (i, 0)),
                  _full((EMB, HID)), _full((HID, 16)), _full((HID, 16))],
        out_specs=[pl.BlockSpec((_BN, HID + 16), lambda i: (i, 0)),
                   pl.BlockSpec((_BN, 16), lambda i: (i, 0))],
        out_shape=[jax.ShapeDtypeStruct((N, HID + 16), jnp.float32),
                   jax.ShapeDtypeStruct((N, 16), jnp.float32)],
    )(x, w1, a_s16, a_d16)


def _tc_mid(u2, rd1, b1r, w2, ws16, wd16):
    return pl.pallas_call(
        _mid_body,
        grid=(N // _BN,),
        in_specs=[pl.BlockSpec((2, _BN, HID + 16), lambda i: (0, i, 0)),
                  _full((HID + 16, HID)), _full((1, HID)),
                  _full((HID, REPR)), _full((HID, 16)), _full((HID, 16))],
        out_specs=[pl.BlockSpec((_BN, REPR + 16), lambda i: (i, 0)),
                   pl.BlockSpec((_BN, 16), lambda i: (i, 0))],
        out_shape=[jax.ShapeDtypeStruct((N, REPR + 16), jnp.float32),
                   jax.ShapeDtypeStruct((N, 16), jnp.float32)],
    )(u2, rd1, b1r, w2, ws16, wd16)


def _tc_post(u2, rd2, b2r):
    return pl.pallas_call(
        _post_body,
        grid=(N // _BN,),
        in_specs=[pl.BlockSpec((2, _BN, REPR + 16), lambda i: (0, i, 0)),
                  _full((REPR + 16, REPR)), _full((1, REPR))],
        out_specs=pl.BlockSpec((_BN, REPR), lambda i: (i, 0)),
        out_shape=jax.ShapeDtypeStruct((N, REPR), jnp.float32),
    )(u2, rd2, b2r)




def _sc_edge(src_r, dst_r, g_tab, d_tab, row_w, heads):
    nv = row_w // 16
    nd = nv - 1
    vregs_per_head = nd // heads

    mesh = plsc.VectorSubcoreMesh(core_axis_name="c", subcore_axis_name="s")

    @functools.partial(
        pl.kernel,
        out_type=jax.ShapeDtypeStruct((2, N, row_w), jnp.float32),
        mesh=mesh,
        compiler_params=pltpu.CompilerParams(use_tc_tiling_on_sc=False),
        scratch_types=[
            pltpu.VMEM((1, CHUNK), jnp.int32),
            pltpu.VMEM((1, CHUNK), jnp.int32),
            pltpu.VMEM((CHUNK, row_w), jnp.float32),
            pltpu.VMEM((CHUNK, 16), jnp.float32),
            pltpu.VMEM((CHUNK, row_w), jnp.float32),
            pltpu.VMEM_SHARED((N, row_w), jnp.float32),
            pltpu.SemaphoreType.DMA,
            pltpu.SemaphoreType.DMA,
        ],
    )
    def k(src_hbm, dst_hbm, g_hbm, d_hbm, out_hbm,
          sidx, didx, gbuf, dbuf, mbuf, acc, sem1, sem2):
        c = lax.axis_index("c")
        s = lax.axis_index("s")
        w = c * 16 + s

        @pl.loop(0, CHUNK)
        def _z(e):
            for v in range(nv):
                mbuf[e, pl.ds(v * 16, 16)] = jnp.zeros((16,), jnp.float32)

        for i in range(ROWS_PER_TILE // CHUNK):
            pltpu.sync_copy(
                mbuf, acc.at[pl.ds(s * ROWS_PER_TILE + i * CHUNK, CHUNK)])
        plsc.subcore_barrier()

        bidx = jnp.arange(16, dtype=jnp.int32)

        @pl.loop(0, NCH)
        def _chunk(j):
            pltpu.sync_copy(src_hbm.at[w, j], sidx.at[0])
            pltpu.sync_copy(dst_hbm.at[w, j], didx.at[0])
            cp1 = pltpu.async_copy(g_hbm.at[sidx.at[0]], gbuf, sem1)
            cp2 = pltpu.async_copy(d_hbm.at[didx.at[0]], dbuf, sem2)
            cp1.wait()
            cp2.wait()

            @plsc.parallel_loop(0, CHUNK)
            def _edge(e):
                a = gbuf[e, pl.ds(nd * 16, 16)] + dbuf[e, :]
                a = jnp.where(a >= 0, a, 0.2 * a)
                p = jnp.exp(a)
                mbuf[e, pl.ds(nd * 16, 16)] = p
                for v in range(nd):
                    pb = p.at[bidx * 0 + (v // vregs_per_head)].get(
                        mode="promise_in_bounds")
                    mbuf[e, pl.ds(v * 16, 16)] = (
                        gbuf[e, pl.ds(v * 16, 16)] * pb)

            pltpu.sync_copy(mbuf, acc.at[didx.at[0]], add=True)

        plsc.subcore_barrier()
        base = s * ROWS_PER_TILE
        pltpu.sync_copy(acc.at[pl.ds(base, ROWS_PER_TILE)],
                        out_hbm.at[c, pl.ds(base, ROWS_PER_TILE)])

    return k(src_r, dst_r, g_tab, d_tab)




def kernel(node_emb, W1, att_src1, att_dst1, b1, W2, att_src2, att_dst2, b2,
           edge_index):
    f32 = jnp.float32
    src_r = edge_index[0].reshape(NW, NCH, CHUNK)
    dst_r = edge_index[1].reshape(NW, NCH, CHUNK)

    rows = jnp.arange(HID, dtype=jnp.int32)
    a1s16 = jnp.zeros((HID, 16), f32).at[rows, rows // 16].set(
        att_src1.reshape(-1).astype(f32))
    a1d16 = jnp.zeros((HID, 16), f32).at[rows, rows // 16].set(
        att_dst1.reshape(-1).astype(f32))

    g1, d1 = _tc_pre(node_emb, W1, a1s16, a1d16)
    part1 = _sc_edge(src_r, dst_r, g1, d1, HID + 16, HEADS)

    rd1 = jnp.zeros((HID + 16, HID), f32).at[HID + rows // 16, rows].set(1.0)
    w2s16 = jnp.zeros((HID, 16), f32).at[:, 0].set(
        (W2 @ att_src2.reshape(-1)).astype(f32))
    w2d16 = jnp.zeros((HID, 16), f32).at[:, 0].set(
        (W2 @ att_dst2.reshape(-1)).astype(f32))

    g2, d2 = _tc_mid(part1, rd1, b1.reshape(1, HID), W2, w2s16, w2d16)
    part2 = _sc_edge(src_r, dst_r, g2, d2, REPR + 16, 1)

    rows64 = jnp.arange(REPR, dtype=jnp.int32)
    rd2 = jnp.zeros((REPR + 16, REPR), f32).at[REPR, rows64].set(1.0)
    return _tc_post(part2, rd2, b2.reshape(1, REPR))

# --- scband reference (transcript-rebuilt; emitter-appended) ---
"""Pipeline reference for scband-gatnet-28630251995358 (READ-ONLY COPY).

The authoritative reference and input builder live on the scoring server;
editing this copy changes nothing except your own understanding.
"""

import jax, jax.numpy as jnp
import numpy as np

N = 10000
E = 320000
EMB = 128
HID = 128
HEADS = 8
REPR = 64


def gat_conv(x, edge_index, W, att_src, att_dst, bias, heads, out_ch, num_nodes):
    # x: [N, in], W: [in, heads*out_ch], att_src/att_dst: [heads, out_ch], bias: [heads*out_ch]
    h = (x @ W).reshape(-1, heads, out_ch)              # [N, H, C]
    a_src = (h * att_src[None, :, :]).sum(-1)           # [N, H]
    a_dst = (h * att_dst[None, :, :]).sum(-1)           # [N, H]
    src = edge_index[0]
    dst = edge_index[1]
    alpha = jax.nn.leaky_relu(a_src[src] + a_dst[dst], 0.2)   # [E, H]
    # segment softmax over incoming edges of each dst node
    amax = jax.ops.segment_max(alpha, dst, num_segments=num_nodes)  # [N, H]
    alpha = jnp.exp(alpha - amax[dst])
    denom = jax.ops.segment_sum(alpha, dst, num_segments=num_nodes)  # [N, H]
    alpha = alpha / (denom[dst] + 1e-16)
    msg = h[src] * alpha[:, :, None]                    # [E, H, C]
    out = jax.ops.segment_sum(msg, dst, num_segments=num_nodes)  # [N, H, C]
    out = out.reshape(num_nodes, heads * out_ch)        # concat=True
    return out + bias[None, :]


def setup_inputs(seed: int = 0) -> dict:
    key = jax.random.key(seed)
    ks = jax.random.split(key, 10)
    edge_index = jax.random.randint(ks[0], (2, E), 0, N, dtype=jnp.int32)
    node_emb = jax.random.normal(ks[1], (N, EMB), dtype=jnp.float32) * 0.1
    W1 = jax.random.normal(ks[2], (EMB, HID), dtype=jnp.float32) * (1.0 / np.sqrt(EMB))
    att_src1 = jax.random.normal(ks[3], (HEADS, HID // HEADS), dtype=jnp.float32) * 0.1
    att_dst1 = jax.random.normal(ks[4], (HEADS, HID // HEADS), dtype=jnp.float32) * 0.1
    b1 = jnp.zeros((HID,), dtype=jnp.float32)
    W2 = jax.random.normal(ks[5], (HID, REPR), dtype=jnp.float32) * (1.0 / np.sqrt(HID))
    att_src2 = jax.random.normal(ks[6], (1, REPR), dtype=jnp.float32) * 0.1
    att_dst2 = jax.random.normal(ks[7], (1, REPR), dtype=jnp.float32) * 0.1
    b2 = jnp.zeros((REPR,), dtype=jnp.float32)
    return {"node_emb": node_emb, "W1": W1, "att_src1": att_src1, "att_dst1": att_dst1,
            "b1": b1, "W2": W2, "att_src2": att_src2, "att_dst2": att_dst2, "b2": b2,
            "edge_index": edge_index}


def reference(node_emb, W1, att_src1, att_dst1, b1, W2, att_src2, att_dst2, b2, edge_index):
    # eval mode: dropout(p=0.6) is identity
    x = node_emb
    x = jax.nn.elu(gat_conv(x, edge_index, W1, att_src1, att_dst1, b1, HEADS, HID // HEADS, N))
    x = gat_conv(x, edge_index, W2, att_src2, att_dst2, b2, 1, REPR, N)
    return x

if __name__ == "__main__":
    import jax
    _d = setup_inputs()
    print(jax.jit(kernel)(*tuple(_d.values())))

</pallas_src>

<mosaic_0001>
#map = affine_map<(d0, d1) -> (0, 0, 0)>
#map1 = affine_map<(d0, d1) -> (0, 0)>
module attributes {stable_mosaic.version = 14 : i64} {
  func.func @k(%arg0: i32, %arg1: i32, %arg2: memref<32x80x125xi32, #tpu.memory_space<hbm>>, %arg3: memref<32x80x125xi32, #tpu.memory_space<hbm>>, %arg4: memref<10000x144xf32, #tpu.memory_space<hbm>>, %arg5: memref<10000x16xf32, #tpu.memory_space<hbm>>, %arg6: memref<2x10000x144xf32, #tpu.memory_space<hbm>>, %arg7: memref<1x125xi32, #tpu.memory_space<vmem>>, %arg8: memref<1x125xi32, #tpu.memory_space<vmem>>, %arg9: memref<125x144xf32, #tpu.memory_space<vmem>>, %arg10: memref<125x16xf32, #tpu.memory_space<vmem>>, %arg11: memref<125x144xf32, #tpu.memory_space<vmem>>, %arg12: memref<10000x144xf32, #tpu.memory_space<vmem_shared>>, %arg13: memref<!tpu.dma_semaphore, #tpu.memory_space<semaphore_mem>>, %arg14: memref<!tpu.dma_semaphore, #tpu.memory_space<semaphore_mem>>) attributes {dimension_semantics = [#tpu.dimension_semantics<core_parallel>, #tpu.dimension_semantics<subcore_parallel>], iteration_bounds = array<i64: 2, 16>, scalar_prefetch = 0 : i64, scratch_operands = 8 : i64, tpu.core_type = #tpu.core_type<sc_vector_subcore>, window_params = [{transform_indices = #map}, {transform_indices = #map}, {transform_indices = #map1}, {transform_indices = #map1}, {transform_indices = #map}]} {
    %mul3A = arith.constant 16 : i32
    %mul3A_0 = arith.muli %arg0, %mul3A : i32
    %add3A = arith.addi %mul3A_0, %arg1 : i32
    %scan3A = arith.constant 0 : i32
    %scan3A_1 = arith.constant 125 : i32
    %scan3A_2 = arith.addi %scan3A, %scan3A_1 : i32
    %scan3A_3 = arith.constant 1 : i32
    scf.for %scan3A_33 = %scan3A to %scan3A_2 step %scan3A_3  : i32 {
      %mul3A_34 = arith.constant 1 : i32
      %mul3A_35 = arith.muli %scan3A_33, %mul3A_34 : i32
      %add3A_36 = arith.constant 0 : i32
      %add3A_37 = arith.addi %add3A_36, %mul3A_35 : i32
      %broadcast_in_dim3A = arith.constant 0.000000e+00 : f32
      %broadcast_in_dim3A_38 = vector.broadcast %broadcast_in_dim3A : f32 to vector<16xf32>
      %swap3A = arith.index_cast %add3A_37 : i32 to index
      %swap3A_39 = arith.constant 0 : index
      %swap3A_40 = tpu.vector_load %arg11[%swap3A, %swap3A_39] {strides = array<i32>} : memref<125x144xf32, #tpu.memory_space<vmem>>, vector<1x16xf32>,
      %swap3A_41 = vector.shape_cast %swap3A_40 : vector<1x16xf32> to vector<16xf32>
      %swap3A_42 = vector.shape_cast %broadcast_in_dim3A_38 : vector<16xf32> to vector<1x16xf32>
      tpu.vector_store %arg11[%swap3A, %swap3A_39], %swap3A_42 {strides = array<i32>} : memref<125x144xf32, #tpu.memory_space<vmem>>, vector<1x16xf32>,
      %broadcast_in_dim3A_43 = arith.constant 0.000000e+00 : f32
      %broadcast_in_dim3A_44 = vector.broadcast %broadcast_in_dim3A_43 : f32 to vector<16xf32>
      %swap3A_45 = arith.index_cast %add3A_37 : i32 to index
      %swap3A_46 = arith.constant 16 : index
      %swap3A_47 = tpu.vector_load %arg11[%swap3A_45, %swap3A_46] {strides = array<i32>} : memref<125x144xf32, #tpu.memory_space<vmem>>, vector<1x16xf32>,
      %swap3A_48 = vector.shape_cast %swap3A_47 : vector<1x16xf32> to vector<16xf32>
      %swap3A_49 = vector.shape_cast %broadcast_in_dim3A_44 : vector<16xf32> to vector<1x16xf32>
      tpu.vector_store %arg11[%swap3A_45, %swap3A_46], %swap3A_49 {strides = array<i32>} : memref<125x144xf32, #tpu.memory_space<vmem>>, vector<1x16xf32>,
      %broadcast_in_dim3A_50 = arith.constant 0.000000e+00 : f32
      %broadcast_in_dim3A_51 = vector.broadcast %broadcast_in_dim3A_50 : f32 to vector<16xf32>
      %swap3A_52 = arith.index_cast %add3A_37 : i32 to index
      %swap3A_53 = arith.constant 32 : index
      %swap3A_54 = tpu.vector_load %arg11[%swap3A_52, %swap3A_53] {strides = array<i32>} : memref<125x144xf32, #tpu.memory_space<vmem>>, vector<1x16xf32>,
      %swap3A_55 = vector.shape_cast %swap3A_54 : vector<1x16xf32> to vector<16xf32>
      %swap3A_56 = vector.shape_cast %broadcast_in_dim3A_51 : vector<16xf32> to vector<1x16xf32>
      tpu.vector_store %arg11[%swap3A_52, %swap3A_53], %swap3A_56 {strides = array<i32>} : memref<125x144xf32, #tpu.memory_space<vmem>>, vector<1x16xf32>,
      %broadcast_in_dim3A_57 = arith.constant 0.000000e+00 : f32
      %broadcast_in_dim3A_58 = vector.broadcast %broadcast_in_dim3A_57 : f32 to vector<16xf32>
      %swap3A_59 = arith.index_cast %add3A_37 : i32 to index
      %swap3A_60 = arith.constant 48 : index
      %swap3A_61 = tpu.vector_load %arg11[%swap3A_59, %swap3A_60] {strides = array<i32>} : memref<125x144xf32, #tpu.memory_space<vmem>>, vector<1x16xf32>,
      %swap3A_62 = vector.shape_cast %swap3A_61 : vector<1x16xf32> to vector<16xf32>
      %swap3A_63 = vector.shape_cast %broadcast_in_dim3A_58 : vector<16xf32> to vector<1x16xf32>
      tpu.vector_store %arg11[%swap3A_59, %swap3A_60], %swap3A_63 {strides = array<i32>} : memref<125x144xf32, #tpu.memory_space<vmem>>, vector<1x16xf32>,
      %broadcast_in_dim3A_64 = arith.constant 0.000000e+00 : f32
      %broadcast_in_dim3A_65 = vector.broadcast %broadcast_in_dim3A_64 : f32 to vector<16xf32>
      %swap3A_66 = arith.index_cast %add3A_37 : i32 to index
      %swap3A_67 = arith.constant 64 : index
      %swap3A_68 = tpu.vector_load %arg11[%swap3A_66, %swap3A_67] {strides = array<i32>} : memref<125x144xf32, #tpu.memory_space<vmem>>, vector<1x16xf32>,
      %swap3A_69 = vector.shape_cast %swap3A_68 : vector<1x16xf32> to vector<16xf32>
      %swap3A_70 = vector.shape_cast %broadcast_in_dim3A_65 : vector<16xf32> to vector<1x16xf32>
      tpu.vector_store %arg11[%swap3A_66, %swap3A_67], %swap3A_70 {strides = array<i32>} : memref<125x144xf32, #tpu.memory_space<vmem>>, vector<1x16xf32>,
      %broadcast_in_dim3A_71 = arith.constant 0.000000e+00 : f32
      %broadcast_in_dim3A_72 = vector.broadcast %broadcast_in_dim3A_71 : f32 to vector<16xf32>
      %swap3A_73 = arith.index_cast %add3A_37 : i32 to index
      %swap3A_74 = arith.constant 80 : index
      %swap3A_75 = tpu.vector_load %arg11[%swap3A_73, %swap3A_74] {strides = array<i32>} : memref<125x144xf32, #tpu.memory_space<vmem>>, vector<1x16xf32>,
      %swap3A_76 = vector.shape_cast %swap3A_75 : vector<1x16xf32> to vector<16xf32>
      %swap3A_77 = vector.shape_cast %broadcast_in_dim3A_72 : vector<16xf32> to vector<1x16xf32>
      tpu.vector_store %arg11[%swap3A_73, %swap3A_74], %swap3A_77 {strides = array<i32>} : memref<125x144xf32, #tpu.memory_space<vmem>>, vector<1x16xf32>,
      %broadcast_in_dim3A_78 = arith.constant 0.000000e+00 : f32
      %broadcast_in_dim3A_79 = vector.broadcast %broadcast_in_dim3A_78 : f32 to vector<16xf32>
      %swap3A_80 = arith.index_cast %add3A_37 : i32 to index
      %swap3A_81 = arith.constant 96 : index
      %swap3A_82 = tpu.vector_load %arg11[%swap3A_80, %swap3A_81] {strides = array<i32>} : memref<125x144xf32, #tpu.memory_space<vmem>>, vector<1x16xf32>,
      %swap3A_83 = vector.shape_cast %swap3A_82 : vector<1x16xf32> to vector<16xf32>
      %swap3A_84 = vector.shape_cast %broadcast_in_dim3A_79 : vector<16xf32> to vector<1x16xf32>
      tpu.vector_store %arg11[%swap3A_80, %swap3A_81], %swap3A_84 {strides = array<i32>} : memref<125x144xf32, #tpu.memory_space<vmem>>, vector<1x16xf32>,
      %broadcast_in_dim3A_85 = arith.constant 0.000000e+00 : f32
      %broadcast_in_dim3A_86 = vector.broadcast %broadcast_in_dim3A_85 : f32 to vector<16xf32>
      %swap3A_87 = arith.index_cast %add3A_37 : i32 to index
      %swap3A_88 = arith.constant 112 : index
      %swap3A_89 = tpu.vector_load %arg11[%swap3A_87, %swap3A_88] {strides = array<i32>} : memref<125x144xf32, #tpu.memory_space<vmem>>, vector<1x16xf32>,
      %swap3A_90 = vector.shape_cast %swap3A_89 : vector<1x16xf32> to vector<16xf32>
      %swap3A_91 = vector.shape_cast %broadcast_in_dim3A_86 : vector<16xf32> to vector<1x16xf32>
      tpu.vector_store %arg11[%swap3A_87, %swap3A_88], %swap3A_91 {strides = array<i32>} : memref<125x144xf32, #tpu.memory_space<vmem>>, vector<1x16xf32>,
      %broadcast_in_dim3A_92 = arith.constant 0.000000e+00 : f32
      %broadcast_in_dim3A_93 = vector.broadcast %broadcast_in_dim3A_92 : f32 to vector<16xf32>
      %swap3A_94 = arith.index_cast %add3A_37 : i32 to index
      %swap3A_95 = arith.constant 128 : index
      %swap3A_96 = tpu.vector_load %arg11[%swap3A_94, %swap3A_95] {strides = array<i32>} : memref<125x144xf32, #tpu.memory_space<vmem>>, vector<1x16xf32>,
      %swap3A_97 = vector.shape_cast %swap3A_96 : vector<1x16xf32> to vector<16xf32>
      %swap3A_98 = vector.shape_cast %broadcast_in_dim3A_93 : vector<16xf32> to vector<1x16xf32>
      tpu.vector_store %arg11[%swap3A_94, %swap3A_95], %swap3A_98 {strides = array<i32>} : memref<125x144xf32, #tpu.memory_space<vmem>>, vector<1x16xf32>,
    }
    %scan3A_4 = arith.constant 125 : i32
    %mul3A_5 = arith.constant 625 : i32
    %mul3A_6 = arith.muli %arg1, %mul3A_5 : i32
    %add3A_7 = arith.constant 0 : i32
    %add3A_8 = arith.addi %mul3A_6, %add3A_7 : i32
    "tpu.region"() ({
      %run_scoped3A = tpu.sem_alloc : memref<!tpu.dma_semaphore, #tpu.memory_space<semaphore_mem>>
      %dma_start3A = arith.constant 0 : i32
      %dma_start3A_33 = tpu.memref_slice %arg12[%add3A_8, %dma_start3A] : memref<10000x144xf32, #tpu.memory_space<vmem_shared>> -> memref<125x144xf32, #tpu.memory_space<vmem_shared>>
      %dma_start3A_34 = arith.constant 0 : i32
      %dma_start3A_35 = tpu.memref_slice %arg12[%add3A_8, %dma_start3A_34] : memref<10000x144xf32, #tpu.memory_space<vmem_shared>> -> memref<125x144xf32, #tpu.memory_space<vmem_shared>>
      tpu.enqueue_dma source(%arg11 : memref<125x144xf32, #tpu.memory_space<vmem>>) target(%dma_start3A_35 : memref<125x144xf32, #tpu.memory_space<vmem_shared>>) target_semaphore(%run_scoped3A : memref<!tpu.dma_semaphore, #tpu.memory_space<semaphore_mem>>)
      %dma_wait3A = arith.constant 0 : i32
      %dma_wait3A_36 = tpu.memref_slice %arg12[%add3A_8, %dma_wait3A] : memref<10000x144xf32, #tpu.memory_space<vmem_shared>> -> memref<125x144xf32, #tpu.memory_space<vmem_shared>>
      %dma_wait3A_37 = arith.constant 0 : i32
      %dma_wait3A_38 = tpu.memref_slice %arg12[%add3A_8, %dma_wait3A_37] : memref<10000x144xf32, #tpu.memory_space<vmem_shared>> -> memref<125x144xf32, #tpu.memory_space<vmem_shared>>
      tpu.wait_dma2 semaphore(%run_scoped3A : memref<!tpu.dma_semaphore, #tpu.memory_space<semaphore_mem>>) src(%arg11 : memref<125x144xf32, #tpu.memory_space<vmem>>) dst(%dma_wait3A_38 : memref<125x144xf32, #tpu.memory_space<vmem_shared>>)
      tpu.yield
    }) : () -> ()
    %mul3A_9 = arith.constant 625 : i32
    %mul3A_10 = arith.muli %arg1, %mul3A_9 : i32
    %add3A_11 = arith.constant 125 : i32
    %add3A_12 = arith.addi %mul3A_10, %add3A_11 : i32
    "tpu.region"() ({
      %run_scoped3A = tpu.sem_alloc : memref<!tpu.dma_semaphore, #tpu.memory_space<semaphore_mem>>
      %dma_start3A = arith.constant 0 : i32
      %dma_start3A_33 = tpu.memref_slice %arg12[%add3A_12, %dma_start3A] : memref<10000x144xf32, #tpu.memory_space<vmem_shared>> -> memref<125x144xf32, #tpu.memory_space<vmem_shared>>
      %dma_start3A_34 = arith.constant 0 : i32
      %dma_start3A_35 = tpu.memref_slice %arg12[%add3A_12, %dma_start3A_34] : memref<10000x144xf32, #tpu.memory_space<vmem_shared>> -> memref<125x144xf32, #tpu.memory_space<vmem_shared>>
      tpu.enqueue_dma source(%arg11 : memref<125x144xf32, #tpu.memory_space<vmem>>) target(%dma_start3A_35 : memref<125x144xf32, #tpu.memory_space<vmem_shared>>) target_semaphore(%run_scoped3A : memref<!tpu.dma_semaphore, #tpu.memory_space<semaphore_mem>>)
      %dma_wait3A = arith.constant 0 : i32
      %dma_wait3A_36 = tpu.memref_slice %arg12[%add3A_12, %dma_wait3A] : memref<10000x144xf32, #tpu.memory_space<vmem_shared>> -> memref<125x144xf32, #tpu.memory_space<vmem_shared>>
      %dma_wait3A_37 = arith.constant 0 : i32
      %dma_wait3A_38 = tpu.memref_slice %arg12[%add3A_12, %dma_wait3A_37] : memref<10000x144xf32, #tpu.memory_space<vmem_shared>> -> memref<125x144xf32, #tpu.memory_space<vmem_shared>>
      tpu.wait_dma2 semaphore(%run_scoped3A : memref<!tpu.dma_semaphore, #tpu.memory_space<semaphore_mem>>) src(%arg11 : memref<125x144xf32, #tpu.memory_space<vmem>>) dst(%dma_wait3A_38 : memref<125x144xf32, #tpu.memory_space<vmem_shared>>)
      tpu.yield
    }) : () -> ()
    %mul3A_13 = arith.constant 625 : i32
    %mul3A_14 = arith.muli %arg1, %mul3A_13 : i32
    %add3A_15 = arith.constant 250 : i32
    %add3A_16 = arith.addi %mul3A_14, %add3A_15 : i32
    "tpu.region"() ({
      %run_scoped3A = tpu.sem_alloc : memref<!tpu.dma_semaphore, #tpu.memory_space<semaphore_mem>>
      %dma_start3A = arith.constant 0 : i32
      %dma_start3A_33 = tpu.memref_slice %arg12[%add3A_16, %dma_start3A] : memref<10000x144xf32, #tpu.memory_space<vmem_shared>> -> memref<125x144xf32, #tpu.memory_space<vmem_shared>>
      %dma_start3A_34 = arith.constant 0 : i32
      %dma_start3A_35 = tpu.memref_slice %arg12[%add3A_16, %dma_start3A_34] : memref<10000x144xf32, #tpu.memory_space<vmem_shared>> -> memref<125x144xf32, #tpu.memory_space<vmem_shared>>
      tpu.enqueue_dma source(%arg11 : memref<125x144xf32, #tpu.memory_space<vmem>>) target(%dma_start3A_35 : memref<125x144xf32, #tpu.memory_space<vmem_shared>>) target_semaphore(%run_scoped3A : memref<!tpu.dma_semaphore, #tpu.memory_space<semaphore_mem>>)
      %dma_wait3A = arith.constant 0 : i32
      %dma_wait3A_36 = tpu.memref_slice %arg12[%add3A_16, %dma_wait3A] : memref<10000x144xf32, #tpu.memory_space<vmem_shared>> -> memref<125x144xf32, #tpu.memory_space<vmem_shared>>
      %dma_wait3A_37 = arith.constant 0 : i32
      %dma_wait3A_38 = tpu.memref_slice %arg12[%add3A_16, %dma_wait3A_37] : memref<10000x144xf32, #tpu.memory_space<vmem_shared>> -> memref<125x144xf32, #tpu.memory_space<vmem_shared>>
      tpu.wait_dma2 semaphore(%run_scoped3A : memref<!tpu.dma_semaphore, #tpu.memory_space<semaphore_mem>>) src(%arg11 : memref<125x144xf32, #tpu.memory_space<vmem>>) dst(%dma_wait3A_38 : memref<125x144xf32, #tpu.memory_space<vmem_shared>>)
      tpu.yield
    }) : () -> ()
    %mul3A_17 = arith.constant 625 : i32
    %mul3A_18 = arith.muli %arg1, %mul3A_17 : i32
    %add3A_19 = arith.constant 375 : i32
    %add3A_20 = arith.addi %mul3A_18, %add3A_19 : i32
    "tpu.region"() ({
      %run_scoped3A = tpu.sem_alloc : memref<!tpu.dma_semaphore, #tpu.memory_space<semaphore_mem>>
      %dma_start3A = arith.constant 0 : i32
      %dma_start3A_33 = tpu.memref_slice %arg12[%add3A_20, %dma_start3A] : memref<10000x144xf32, #tpu.memory_space<vmem_shared>> -> memref<125x144xf32, #tpu.memory_space<vmem_shared>>
      %dma_start3A_34 = arith.constant 0 : i32
      %dma_start3A_35 = tpu.memref_slice %arg12[%add3A_20, %dma_start3A_34] : memref<10000x144xf32, #tpu.memory_space<vmem_shared>> -> memref<125x144xf32, #tpu.memory_space<vmem_shared>>
      tpu.enqueue_dma source(%arg11 : memref<125x144xf32, #tpu.memory_space<vmem>>) target(%dma_start3A_35 : memref<125x144xf32, #tpu.memory_space<vmem_shared>>) target_semaphore(%run_scoped3A : memref<!tpu.dma_semaphore, #tpu.memory_space<semaphore_mem>>)
      %dma_wait3A = arith.constant 0 : i32
      %dma_wait3A_36 = tpu.memref_slice %arg12[%add3A_20, %dma_wait3A] : memref<10000x144xf32, #tpu.memory_space<vmem_shared>> -> memref<125x144xf32, #tpu.memory_space<vmem_shared>>
      %dma_wait3A_37 = arith.constant 0 : i32
      %dma_wait3A_38 = tpu.memref_slice %arg12[%add3A_20, %dma_wait3A_37] : memref<10000x144xf32, #tpu.memory_space<vmem_shared>> -> memref<125x144xf32, #tpu.memory_space<vmem_shared>>
      tpu.wait_dma2 semaphore(%run_scoped3A : memref<!tpu.dma_semaphore, #tpu.memory_space<semaphore_mem>>) src(%arg11 : memref<125x144xf32, #tpu.memory_space<vmem>>) dst(%dma_wait3A_38 : memref<125x144xf32, #tpu.memory_space<vmem_shared>>)
      tpu.yield
    }) : () -> ()
    %mul3A_21 = arith.constant 625 : i32
    %mul3A_22 = arith.muli %arg1, %mul3A_21 : i32
    %add3A_23 = arith.constant 500 : i32
    %add3A_24 = arith.addi %mul3A_22, %add3A_23 : i32
    "tpu.region"() ({
      %run_scoped3A = tpu.sem_alloc : memref<!tpu.dma_semaphore, #tpu.memory_space<semaphore_mem>>
      %dma_start3A = arith.constant 0 : i32
      %dma_start3A_33 = tpu.memref_slice %arg12[%add3A_24, %dma_start3A] : memref<10000x144xf32, #tpu.memory_space<vmem_shared>> -> memref<125x144xf32, #tpu.memory_space<vmem_shared>>
      %dma_start3A_34 = arith.constant 0 : i32
      %dma_start3A_35 = tpu.memref_slice %arg12[%add3A_24, %dma_start3A_34] : memref<10000x144xf32, #tpu.memory_space<vmem_shared>> -> memref<125x144xf32, #tpu.memory_space<vmem_shared>>
      tpu.enqueue_dma source(%arg11 : memref<125x144xf32, #tpu.memory_space<vmem>>) target(%dma_start3A_35 : memref<125x144xf32, #tpu.memory_space<vmem_shared>>) target_semaphore(%run_scoped3A : memref<!tpu.dma_semaphore, #tpu.memory_space<semaphore_mem>>)
      %dma_wait3A = arith.constant 0 : i32
      %dma_wait3A_36 = tpu.memref_slice %arg12[%add3A_24, %dma_wait3A] : memref<10000x144xf32, #tpu.memory_space<vmem_shared>> -> memref<125x144xf32, #tpu.memory_space<vmem_shared>>
      %dma_wait3A_37 = arith.constant 0 : i32
      %dma_wait3A_38 = tpu.memref_slice %arg12[%add3A_24, %dma_wait3A_37] : memref<10000x144xf32, #tpu.memory_space<vmem_shared>> -> memref<125x144xf32, #tpu.memory_space<vmem_shared>>
      tpu.wait_dma2 semaphore(%run_scoped3A : memref<!tpu.dma_semaphore, #tpu.memory_space<semaphore_mem>>) src(%arg11 : memref<125x144xf32, #tpu.memory_space<vmem>>) dst(%dma_wait3A_38 : memref<125x144xf32, #tpu.memory_space<vmem_shared>>)
      tpu.yield
    }) : () -> ()
    %barrier3A = arith.constant 0 : index
    tpu.barrier barrier_id(%barrier3A)
    %iota3A = tpu.iota {dimensions = array<i32: 0>} : vector<16xi32>
    %scan3A_25 = arith.constant 0 : i32
    %scan3A_26 = arith.constant 80 : i32
    %scan3A_27 = arith.addi %scan3A_25, %scan3A_26 : i32
    %scan3A_28 = arith.constant 1 : i32
    scf.for %scan3A_33 = %scan3A_25 to %scan3A_27 step %scan3A_28  : i32 {
      %mul3A_34 = arith.constant 1 : i32
      %mul3A_35 = arith.muli %scan3A_33, %mul3A_34 : i32
      %add3A_36 = arith.constant 0 : i32
      %add3A_37 = arith.addi %add3A_36, %mul3A_35 : i32
      %run_scoped3A = arith.constant 0 : i32
      "tpu.region"() ({
        %run_scoped3A_68 = tpu.sem_alloc : memref<!tpu.dma_semaphore, #tpu.memory_space<semaphore_mem>>
        %dma_start3A_69 = arith.constant 0 : i32
        %dma_start3A_70 = tpu.memref_slice %arg7[%run_scoped3A, %dma_start3A_69] : memref<1x125xi32, #tpu.memory_space<vmem>> -> memref<1x125xi32, #tpu.memory_space<vmem>>
        %dma_start3A_71 = tpu.memref_squeeze %dma_start3A_70 : memref<1x125xi32, #tpu.memory_space<vmem>> -> memref<125xi32, #tpu.memory_space<vmem>>
        %dma_start3A_72 = arith.constant 0 : i32
        %dma_start3A_73 = tpu.memref_slice %arg2[%add3A, %add3A_37, %dma_start3A_72] : memref<32x80x125xi32, #tpu.memory_space<hbm>> -> memref<1x1x125xi32, #tpu.memory_space<hbm>>
        %dma_start3A_74 = tpu.memref_squeeze %dma_start3A_73 : memref<1x1x125xi32, #tpu.memory_space<hbm>> -> memref<125xi32, #tpu.memory_space<hbm>>
        %dma_start3A_75 = arith.constant 0 : i32
        %dma_start3A_76 = tpu.memref_slice %arg7[%run_scoped3A, %dma_start3A_75] : memref<1x125xi32, #tpu.memory_space<vmem>> -> memref<1x125xi32, #tpu.memory_space<vmem>>
        %dma_start3A_77 = tpu.memref_squeeze %dma_start3A_76 : memref<1x125xi32, #tpu.memory_space<vmem>> -> memref<125xi32, #tpu.memory_space<vmem>>
        %dma_start3A_78 = arith.constant 0 : i32
        %dma_start3A_79 = tpu.memref_slice %arg2[%add3A, %add3A_37, %dma_start3A_78] : memref<32x80x125xi32, #tpu.memory_space<hbm>> -> memref<1x1x125xi32, #tpu.memory_space<hbm>>
        %dma_start3A_80 = tpu.memref_squeeze %dma_start3A_79 : memref<1x1x125xi32, #tpu.memory_space<hbm>> -> memref<125xi32, #tpu.memory_space<hbm>>
        tpu.enqueue_dma source(%dma_start3A_80 : memref<125xi32, #tpu.memory_space<hbm>>) target(%dma_start3A_77 : memref<125xi32, #tpu.memory_space<vmem>>) target_semaphore(%run_scoped3A_68 : memref<!tpu.dma_semaphore, #tpu.memory_space<semaphore_mem>>)
        %dma_wait3A_81 = arith.constant 0 : i32
        %dma_wait3A_82 = tpu.memref_slice %arg7[%run_scoped3A, %dma_wait3A_81] : memref<1x125xi32, #tpu.memory_space<vmem>> -> memref<1x125xi32, #tpu.memory_space<vmem>>
        %dma_wait3A_83 = tpu.memref_squeeze %dma_wait3A_82 : memref<1x125xi32, #tpu.memory_space<vmem>> -> memref<125xi32, #tpu.memory_space<vmem>>
        %dma_wait3A_84 = arith.constant 0 : i32
        %dma_wait3A_85 = tpu.memref_slice %arg2[%add3A, %add3A_37, %dma_wait3A_84] : memref<32x80x125xi32, #tpu.memory_space<hbm>> -> memref<1x1x125xi32, #tpu.memory_space<hbm>>
        %dma_wait3A_86 = tpu.memref_squeeze %dma_wait3A_85 : memref<1x1x125xi32, #tpu.memory_space<hbm>> -> memref<125xi32, #tpu.memory_space<hbm>>
        %dma_wait3A_87 = arith.constant 0 : i32
        %dma_wait3A_88 = tpu.memref_slice %arg7[%run_scoped3A, %dma_wait3A_87] : memref<1x125xi32, #tpu.memory_space<vmem>> -> memref<1x125xi32, #tpu.memory_space<vmem>>
        %dma_wait3A_89 = tpu.memref_squeeze %dma_wait3A_88 : memref<1x125xi32, #tpu.memory_space<vmem>> -> memref<125xi32, #tpu.memory_space<vmem>>
        %dma_wait3A_90 = arith.constant 0 : i32
        %dma_wait3A_91 = tpu.memref_slice %arg2[%add3A, %add3A_37, %dma_wait3A_90] : memref<32x80x125xi32, #tpu.memory_space<hbm>> -> memref<1x1x125xi32, #tpu.memory_space<hbm>>
        %dma_wait3A_92 = tpu.memref_squeeze %dma_wait3A_91 : memref<1x1x125xi32, #tpu.memory_space<hbm>> -> memref<125xi32, #tpu.memory_space<hbm>>
        tpu.wait_dma2 semaphore(%run_scoped3A_68 : memref<!tpu.dma_semaphore, #tpu.memory_space<semaphore_mem>>) src(%dma_wait3A_92 : memref<125xi32, #tpu.memory_space<hbm>>) dst(%dma_wait3A_89 : memref<125xi32, #tpu.memory_space<vmem>>)
        tpu.yield
      }) : () -> ()
      %run_scoped3A_38 = arith.constant 0 : i32
      "tpu.region"() ({
        %run_scoped3A_68 = tpu.sem_alloc : memref<!tpu.dma_semaphore, #tpu.memory_space<semaphore_mem>>
        %dma_start3A_69 = arith.constant 0 : i32
        %dma_start3A_70 = tpu.memref_slice %arg8[%run_scoped3A_38, %dma_start3A_69] : memref<1x125xi32, #tpu.memory_space<vmem>> -> memref<1x125xi32, #tpu.memory_space<vmem>>
        %dma_start3A_71 = tpu.memref_squeeze %dma_start3A_70 : memref<1x125xi32, #tpu.memory_space<vmem>> -> memref<125xi32, #tpu.memory_space<vmem>>
        %dma_start3A_72 = arith.constant 0 : i32
        %dma_start3A_73 = tpu.memref_slice %arg3[%add3A, %add3A_37, %dma_start3A_72] : memref<32x80x125xi32, #tpu.memory_space<hbm>> -> memref<1x1x125xi32, #tpu.memory_space<hbm>>
        %dma_start3A_74 = tpu.memref_squeeze %dma_start3A_73 : memref<1x1x125xi32, #tpu.memory_space<hbm>> -> memref<125xi32, #tpu.memory_space<hbm>>
        %dma_start3A_75 = arith.constant 0 : i32
        %dma_start3A_76 = tpu.memref_slice %arg8[%run_scoped3A_38, %dma_start3A_75] : memref<1x125xi32, #tpu.memory_space<vmem>> -> memref<1x125xi32, #tpu.memory_space<vmem>>
        %dma_start3A_77 = tpu.memref_squeeze %dma_start3A_76 : memref<1x125xi32, #tpu.memory_space<vmem>> -> memref<125xi32, #tpu.memory_space<vmem>>
        %dma_start3A_78 = arith.constant 0 : i32
        %dma_start3A_79 = tpu.memref_slice %arg3[%add3A, %add3A_37, %dma_start3A_78] : memref<32x80x125xi32, #tpu.memory_space<hbm>> -> memref<1x1x125xi32, #tpu.memory_space<hbm>>
        %dma_start3A_80 = tpu.memref_squeeze %dma_start3A_79 : memref<1x1x125xi32, #tpu.memory_space<hbm>> -> memref<125xi32, #tpu.memory_space<hbm>>
        tpu.enqueue_dma source(%dma_start3A_80 : memref<125xi32, #tpu.memory_space<hbm>>) target(%dma_start3A_77 : memref<125xi32, #tpu.memory_space<vmem>>) target_semaphore(%run_scoped3A_68 : memref<!tpu.dma_semaphore, #tpu.memory_space<semaphore_mem>>)
        %dma_wait3A_81 = arith.constant 0 : i32
        %dma_wait3A_82 = tpu.memref_slice %arg8[%run_scoped3A_38, %dma_wait3A_81] : memref<1x125xi32, #tpu.memory_space<vmem>> -> memref<1x125xi32, #tpu.memory_space<vmem>>
        %dma_wait3A_83 = tpu.memref_squeeze %dma_wait3A_82 : memref<1x125xi32, #tpu.memory_space<vmem>> -> memref<125xi32, #tpu.memory_space<vmem>>
        %dma_wait3A_84 = arith.constant 0 : i32
        %dma_wait3A_85 = tpu.memref_slice %arg3[%add3A, %add3A_37, %dma_wait3A_84] : memref<32x80x125xi32, #tpu.memory_space<hbm>> -> memref<1x1x125xi32, #tpu.memory_space<hbm>>
        %dma_wait3A_86 = tpu.memref_squeeze %dma_wait3A_85 : memref<1x1x125xi32, #tpu.memory_space<hbm>> -> memref<125xi32, #tpu.memory_space<hbm>>
        %dma_wait3A_87 = arith.constant 0 : i32
        %dma_wait3A_88 = tpu.memref_slice %arg8[%run_scoped3A_38, %dma_wait3A_87] : memref<1x125xi32, #tpu.memory_space<vmem>> -> memref<1x125xi32, #tpu.memory_space<vmem>>
        %dma_wait3A_89 = tpu.memref_squeeze %dma_wait3A_88 : memref<1x125xi32, #tpu.memory_space<vmem>> -> memref<125xi32, #tpu.memory_space<vmem>>
        %dma_wait3A_90 = arith.constant 0 : i32
        %dma_wait3A_91 = tpu.memref_slice %arg3[%add3A, %add3A_37, %dma_wait3A_90] : memref<32x80x125xi32, #tpu.memory_space<hbm>> -> memref<1x1x125xi32, #tpu.memory_space<hbm>>
        %dma_wait3A_92 = tpu.memref_squeeze %dma_wait3A_91 : memref<1x1x125xi32, #tpu.memory_space<hbm>> -> memref<125xi32, #tpu.memory_space<hbm>>
        tpu.wait_dma2 semaphore(%run_scoped3A_68 : memref<!tpu.dma_semaphore, #tpu.memory_space<semaphore_mem>>) src(%dma_wait3A_92 : memref<125xi32, #tpu.memory_space<hbm>>) dst(%dma_wait3A_89 : memref<125xi32, #tpu.memory_space<vmem>>)
        tpu.yield
      }) : () -> ()
      %dma_start3A = arith.constant 0 : i32
      %dma_start3A_39 = arith.constant 0 : i32
      %dma_start3A_40 = tpu.memref_slice %arg7[%dma_start3A, %dma_start3A_39] : memref<1x125xi32, #tpu.memory_space<vmem>> -> memref<1x125xi32, #tpu.memory_space<vmem>>
      %dma_start3A_41 = tpu.memref_squeeze %dma_start3A_40 : memref<1x125xi32, #tpu.memory_space<vmem>> -> memref<125xi32, #tpu.memory_space<vmem>>
      %dma_start3A_42 = arith.constant 0 : i32
      %dma_start3A_43 = arith.constant 0 : i32
      %dma_start3A_44 = tpu.memref_slice %arg4[%dma_start3A_42, %dma_start3A_43] : memref<10000x144xf32, #tpu.memory_space<hbm>> -> memref<10000x144xf32, #tpu.memory_space<hbm>>
      tpu.enqueue_indirect_dma source(%dma_start3A_44 : memref<10000x144xf32, #tpu.memory_space<hbm>>) target(%arg9 : memref<125x144xf32, #tpu.memory_space<vmem>>) offsets(%dma_start3A_41 : memref<125xi32, #tpu.memory_space<vmem>>) semaphore(%arg13 : memref<!tpu.dma_semaphore, #tpu.memory_space<semaphore_mem>>)
      %dma_start3A_45 = arith.constant 0 : i32
      %dma_start3A_46 = arith.constant 0 : i32
      %dma_start3A_47 = tpu.memref_slice %arg8[%dma_start3A_45, %dma_start3A_46] : memref<1x125xi32, #tpu.memory_space<vmem>> -> memref<1x125xi32, #tpu.memory_space<vmem>>
      %dma_start3A_48 = tpu.memref_squeeze %dma_start3A_47 : memref<1x125xi32, #tpu.memory_space<vmem>> -> memref<125xi32, #tpu.memory_space<vmem>>
      %dma_start3A_49 = arith.constant 0 : i32
      %dma_start3A_50 = arith.constant 0 : i32
      %dma_start3A_51 = tpu.memref_slice %arg5[%dma_start3A_49, %dma_start3A_50] : memref<10000x16xf32, #tpu.memory_space<hbm>> -> memref<10000x16xf32, #tpu.memory_space<hbm>>
      tpu.enqueue_indirect_dma source(%dma_start3A_51 : memref<10000x16xf32, #tpu.memory_space<hbm>>) target(%arg10 : memref<125x16xf32, #tpu.memory_space<vmem>>) offsets(%dma_start3A_48 : memref<125xi32, #tpu.memory_space<vmem>>) semaphore(%arg14 : memref<!tpu.dma_semaphore, #tpu.memory_space<semaphore_mem>>)
      %dma_wait3A = arith.constant 0 : i32
      %dma_wait3A_52 = arith.constant 0 : i32
      %dma_wait3A_53 = tpu.memref_slice %arg7[%dma_wait3A, %dma_wait3A_52] : memref<1x125xi32, #tpu.memory_space<vmem>> -> memref<1x125xi32, #tpu.memory_space<vmem>>
      %dma_wait3A_54 = tpu.memref_squeeze %dma_wait3A_53 : memref<1x125xi32, #tpu.memory_space<vmem>> -> memref<125xi32, #tpu.memory_space<vmem>>
      %dma_wait3A_55 = arith.constant 0 : i32
      %dma_wait3A_56 = arith.constant 0 : i32
      %dma_wait3A_57 = tpu.memref_slice %arg4[%dma_wait3A_55, %dma_wait3A_56] : memref<10000x144xf32, #tpu.memory_space<hbm>> -> memref<10000x144xf32, #tpu.memory_space<hbm>>
      tpu.wait_indirect_dma semaphore(%arg13 : memref<!tpu.dma_semaphore, #tpu.memory_space<semaphore_mem>>) src(%dma_wait3A_57 : memref<10000x144xf32, #tpu.memory_space<hbm>>) dst(%arg9 : memref<125x144xf32, #tpu.memory_space<vmem>>)
      %dma_wait3A_58 = arith.constant 0 : i32
      %dma_wait3A_59 = arith.constant 0 : i32
      %dma_wait3A_60 = tpu.memref_slice %arg8[%dma_wait3A_58, %dma_wait3A_59] : memref<1x125xi32, #tpu.memory_space<vmem>> -> memref<1x125xi32, #tpu.memory_space<vmem>>
      %dma_wait3A_61 = tpu.memref_squeeze %dma_wait3A_60 : memref<1x125xi32, #tpu.memory_space<vmem>> -> memref<125xi32, #tpu.memory_space<vmem>>
      %dma_wait3A_62 = arith.constant 0 : i32
      %dma_wait3A_63 = arith.constant 0 : i32
      %dma_wait3A_64 = tpu.memref_slice %arg5[%dma_wait3A_62, %dma_wait3A_63] : memref<10000x16xf32, #tpu.memory_space<hbm>> -> memref<10000x16xf32, #tpu.memory_space<hbm>>
      tpu.wait_indirect_dma semaphore(%arg14 : memref<!tpu.dma_semaphore, #tpu.memory_space<semaphore_mem>>) src(%dma_wait3A_64 : memref<10000x16xf32, #tpu.memory_space<hbm>>) dst(%arg10 : memref<125x16xf32, #tpu.memory_space<vmem>>)
      %parallel_loop3A = arith.constant 0 : i32
      %parallel_loop3A_65 = arith.constant 125 : i32
      %parallel_loop3A_66 = arith.constant 1 : i32
      scf.for %parallel_loop3A_68 = %parallel_loop3A to %parallel_loop3A_65 step %parallel_loop3A_66  : i32 {
        %parallel_loop3A_69 = arith.index_cast %parallel_loop3A_68 : i32 to index
        %parallel_loop3A_70 = arith.constant 128 : index
        %parallel_loop3A_71 = tpu.vector_load %arg9[%parallel_loop3A_69, %parallel_loop3A_70] {strides = array<i32>} : memref<125x144xf32, #tpu.memory_space<vmem>>, vector<1x16xf32>,
        %parallel_loop3A_72 = vector.shape_cast %parallel_loop3A_71 : vector<1x16xf32> to vector<16xf32>
        %parallel_loop3A_73 = arith.index_cast %parallel_loop3A_68 : i32 to index
        %parallel_loop3A_74 = arith.constant 0 : index
        %parallel_loop3A_75 = tpu.vector_load %arg10[%parallel_loop3A_73, %parallel_loop3A_74] {strides = array<i32>} : memref<125x16xf32, #tpu.memory_space<vmem>>, vector<1x16xf32>,
        %parallel_loop3A_76 = vector.shape_cast %parallel_loop3A_75 : vector<1x16xf32> to vector<16xf32>
        %parallel_loop3A_77 = arith.addf %parallel_loop3A_72, %parallel_loop3A_76 : vector<16xf32>
        %parallel_loop3A_78 = arith.constant 0.000000e+00 : f32
        %parallel_loop3A_79 = vector.broadcast %parallel_loop3A_78 : f32 to vector<16xf32>
        %parallel_loop3A_80 = arith.cmpf oge, %parallel_loop3A_77, %parallel_loop3A_79 : vector<16xf32>
        %parallel_loop3A_81 = arith.constant 2.000000e-01 : f32
        %parallel_loop3A_82 = vector.broadcast %parallel_loop3A_81 : f32 to vector<16xf32>
        %parallel_loop3A_83 = arith.mulf %parallel_loop3A_82, %parallel_loop3A_77 : vector<16xf32>
        %parallel_loop3A_84 = arith.select %parallel_loop3A_80, %parallel_loop3A_77, %parallel_loop3A_83 : vector<16xi1>, vector<16xf32>
        %parallel_loop3A_85 = math.exp %parallel_loop3A_84 : vector<16xf32>
        %parallel_loop3A_86 = arith.index_cast %parallel_loop3A_68 : i32 to index
        %parallel_loop3A_87 = arith.constant 128 : index
        %parallel_loop3A_88 = tpu.vector_load %arg11[%parallel_loop3A_86, %parallel_loop3A_87] {strides = array<i32>} : memref<125x144xf32, #tpu.memory_space<vmem>>, vector<1x16xf32>,
        %parallel_loop3A_89 = vector.shape_cast %parallel_loop3A_88 : vector<1x16xf32> to vector<16xf32>
        %parallel_loop3A_90 = vector.shape_cast %parallel_loop3A_85 : vector<16xf32> to vector<1x16xf32>
        tpu.vector_store %arg11[%parallel_loop3A_86, %parallel_loop3A_87], %parallel_loop3A_90 {strides = array<i32>} : memref<125x144xf32, #tpu.memory_space<vmem>>, vector<1x16xf32>,
        %parallel_loop3A_91 = arith.constant 0 : i32
        %parallel_loop3A_92 = vector.broadcast %parallel_loop3A_91 : i32 to vector<16xi32>
        %parallel_loop3A_93 = arith.muli %iota3A, %parallel_loop3A_92 : vector<16xi32>
        %parallel_loop3A_94 = arith.constant 0 : i32
        %parallel_loop3A_95 = vector.broadcast %parallel_loop3A_94 : i32 to vector<16xi32>
        %parallel_loop3A_96 = arith.addi %parallel_loop3A_93, %parallel_loop3A_95 : vector<16xi32>
        %parallel_loop3A_97 = arith.constant 0 : i32
        %parallel_loop3A_98 = vector.broadcast %parallel_loop3A_97 : i32 to vector<16xi32>
        %parallel_loop3A_99 = arith.cmpi slt, %parallel_loop3A_96, %parallel_loop3A_98 : vector<16xi32>
        %parallel_loop3A_100 = arith.constant 16 : i32
        %parallel_loop3A_101 = vector.broadcast %parallel_loop3A_100 : i32 to vector<16xi32>
        %parallel_loop3A_102 = arith.addi %parallel_loop3A_96, %parallel_loop3A_101 : vector<16xi32>
        %parallel_loop3A_103 = arith.select %parallel_loop3A_99, %parallel_loop3A_102, %parallel_loop3A_96 : vector<16xi1>, vector<16xi32>
        %parallel_loop3A_104 = vector.shape_cast %parallel_loop3A_103 : vector<16xi32> to vector<16x1xi32>
        %parallel_loop3A_105 = vector.shape_cast %parallel_loop3A_104 : vector<16x1xi32> to vector<16xi32>
        %parallel_loop3A_106 = tpu.dynamic_gather %parallel_loop3A_85[%parallel_loop3A_105] in [0] : vector<16xf32>, vector<16xi32> -> vector<16xf32>
        %parallel_loop3A_107 = arith.index_cast %parallel_loop3A_68 : i32 to index
        %parallel_loop3A_108 = arith.constant 0 : index
        %parallel_loop3A_109 = tpu.vector_load %arg9[%parallel_loop3A_107, %parallel_loop3A_108] {strides = array<i32>} : memref<125x144xf32, #tpu.memory_space<vmem>>, vector<1x16xf32>,
        %parallel_loop3A_110 = vector.shape_cast %parallel_loop3A_109 : vector<1x16xf32> to vector<16xf32>
        %parallel_loop3A_111 = arith.mulf %parallel_loop3A_110, %parallel_loop3A_106 : vector<16xf32>
        %parallel_loop3A_112 = arith.index_cast %parallel_loop3A_68 : i32 to index
        %parallel_loop3A_113 = arith.constant 0 : index
        %parallel_loop3A_114 = tpu.vector_load %arg11[%parallel_loop3A_112, %parallel_loop3A_113] {strides = array<i32>} : memref<125x144xf32, #tpu.memory_space<vmem>>, vector<1x16xf32>,
        %parallel_loop3A_115 = vector.shape_cast %parallel_loop3A_114 : vector<1x16xf32> to vector<16xf32>
        %parallel_loop3A_116 = vector.shape_cast %parallel_loop3A_111 : vector<16xf32> to vector<1x16xf32>
        tpu.vector_store %arg11[%parallel_loop3A_112, %parallel_loop3A_113], %parallel_loop3A_116 {strides = array<i32>} : memref<125x144xf32, #tpu.memory_space<vmem>>, vector<1x16xf32>,
        %parallel_loop3A_117 = arith.constant 0 : i32
        %parallel_loop3A_118 = vector.broadcast %parallel_loop3A_117 : i32 to vector<16xi32>
        %parallel_loop3A_119 = arith.muli %iota3A, %parallel_loop3A_118 : vector<16xi32>
        %parallel_loop3A_120 = arith.constant 1 : i32
        %parallel_loop3A_121 = vector.broadcast %parallel_loop3A_120 : i32 to vector<16xi32>
        %parallel_loop3A_122 = arith.addi %parallel_loop3A_119, %parallel_loop3A_121 : vector<16xi32>
        %parallel_loop3A_123 = arith.constant 0 : i32
        %parallel_loop3A_124 = vector.broadcast %parallel_loop3A_123 : i32 to vector<16xi32>
        %parallel_loop3A_125 = arith.cmpi slt, %parallel_loop3A_122, %parallel_loop3A_124 : vector<16xi32>
        %parallel_loop3A_126 = arith.constant 16 : i32
        %parallel_loop3A_127 = vector.broadcast %parallel_loop3A_126 : i32 to vector<16xi32>
        %parallel_loop3A_128 = arith.addi %parallel_loop3A_122, %parallel_loop3A_127 : vector<16xi32>
        %parallel_loop3A_129 = arith.select %parallel_loop3A_125, %parallel_loop3A_128, %parallel_loop3A_122 : vector<16xi1>, vector<16xi32>
        %parallel_loop3A_130 = vector.shape_cast %parallel_loop3A_129 : vector<16xi32> to vector<16x1xi32>
        %parallel_loop3A_131 = vector.shape_cast %parallel_loop3A_130 : vector<16x1xi32> to vector<16xi32>
        %parallel_loop3A_132 = tpu.dynamic_gather %parallel_loop3A_85[%parallel_loop3A_131] in [0] : vector<16xf32>, vector<16xi32> -> vector<16xf32>
        %parallel_loop3A_133 = arith.index_cast %parallel_loop3A_68 : i32 to index
        %parallel_loop3A_134 = arith.constant 16 : index
        %parallel_loop3A_135 = tpu.vector_load %arg9[%parallel_loop3A_133, %parallel_loop3A_134] {strides = array<i32>} : memref<125x144xf32, #tpu.memory_space<vmem>>, vector<1x16xf32>,
        %parallel_loop3A_136 = vector.shape_cast %parallel_loop3A_135 : vector<1x16xf32> to vector<16xf32>
        %parallel_loop3A_137 = arith.mulf %parallel_loop3A_136, %parallel_loop3A_132 : vector<16xf32>
        %parallel_loop3A_138 = arith.index_cast %parallel_loop3A_68 : i32 to index
        %parallel_loop3A_139 = arith.constant 16 : index
        %parallel_loop3A_140 = tpu.vector_load %arg11[%parallel_loop3A_138, %parallel_loop3A_139] {strides = array<i32>} : memref<125x144xf32, #tpu.memory_space<vmem>>, vector<1x16xf32>,
        %parallel_loop3A_141 = vector.shape_cast %parallel_loop3A_140 : vector<1x16xf32> to vector<16xf32>
        %parallel_loop3A_142 = vector.shape_cast %parallel_loop3A_137 : vector<16xf32> to vector<1x16xf32>
        tpu.vector_store %arg11[%parallel_loop3A_138, %parallel_loop3A_139], %parallel_loop3A_142 {strides = array<i32>} : memref<125x144xf32, #tpu.memory_space<vmem>>, vector<1x16xf32>,
        %parallel_loop3A_143 = arith.constant 0 : i32
        %parallel_loop3A_144 = vector.broadcast %parallel_loop3A_143 : i32 to vector<16xi32>
        %parallel_loop3A_145 = arith.muli %iota3A, %parallel_loop3A_144 : vector<16xi32>
        %parallel_loop3A_146 = arith.constant 2 : i32
        %parallel_loop3A_147 = vector.broadcast %parallel_loop3A_146 : i32 to vector<16xi32>
        %parallel_loop3A_148 = arith.addi %parallel_loop3A_145, %parallel_loop3A_147 : vector<16xi32>
        %parallel_loop3A_149 = arith.constant 0 : i32
        %parallel_loop3A_150 = vector.broadcast %parallel_loop3A_149 : i32 to vector<16xi32>
        %parallel_loop3A_151 = arith.cmpi slt, %parallel_loop3A_148, %parallel_loop3A_150 : vector<16xi32>
        %parallel_loop3A_152 = arith.constant 16 : i32
        %parallel_loop3A_153 = vector.broadcast %parallel_loop3A_152 : i32 to vector<16xi32>
        %parallel_loop3A_154 = arith.addi %parallel_loop3A_148, %parallel_loop3A_153 : vector<16xi32>
        %parallel_loop3A_155 = arith.select %parallel_loop3A_151, %parallel_loop3A_154, %parallel_loop3A_148 : vector<16xi1>, vector<16xi32>
        %parallel_loop3A_156 = vector.shape_cast %parallel_loop3A_155 : vector<16xi32> to vector<16x1xi32>
        %parallel_loop3A_157 = vector.shape_cast %parallel_loop3A_156 : vector<16x1xi32> to vector<16xi32>
        %parallel_loop3A_158 = tpu.dynamic_gather %parallel_loop3A_85[%parallel_loop3A_157] in [0] : vector<16xf32>, vector<16xi32> -> vector<16xf32>
        %parallel_loop3A_159 = arith.index_cast %parallel_loop3A_68 : i32 to index
        %parallel_loop3A_160 = arith.constant 32 : index
        %parallel_loop3A_161 = tpu.vector_load %arg9[%parallel_loop3A_159, %parallel_loop3A_160] {strides = array<i32>} : memref<125x144xf32, #tpu.memory_space<vmem>>, vector<1x16xf32>,
        %parallel_loop3A_162 = vector.shape_cast %parallel_loop3A_161 : vector<1x16xf32> to vector<16xf32>
        %parallel_loop3A_163 = arith.mulf %parallel_loop3A_162, %parallel_loop3A_158 : vector<16xf32>
        %parallel_loop3A_164 = arith.index_cast %parallel_loop3A_68 : i32 to index
        %parallel_loop3A_165 = arith.constant 32 : index
        %parallel_loop3A_166 = tpu.vector_load %arg11[%parallel_loop3A_164, %parallel_loop3A_165] {strides = array<i32>} : memref<125x144xf32, #tpu.memory_space<vmem>>, vector<1x16xf32>,
        %parallel_loop3A_167 = vector.shape_cast %parallel_loop3A_166 : vector<1x16xf32> to vector<16xf32>
        %parallel_loop3A_168 = vector.shape_cast %parallel_loop3A_163 : vector<16xf32> to vector<1x16xf32>
        tpu.vector_store %arg11[%parallel_loop3A_164, %parallel_loop3A_165], %parallel_loop3A_168 {strides = array<i32>} : memref<125x144xf32, #tpu.memory_space<vmem>>, vector<1x16xf32>,
        %parallel_loop3A_169 = arith.constant 0 : i32
        %parallel_loop3A_170 = vector.broadcast %parallel_loop3A_169 : i32 to vector<16xi32>
        %parallel_loop3A_171 = arith.muli %iota3A, %parallel_loop3A_170 : vector<16xi32>
        %parallel_loop3A_172 = arith.constant 3 : i32
        %parallel_loop3A_173 = vector.broadcast %parallel_loop3A_172 : i32 to vector<16xi32>
        %parallel_loop3A_174 = arith.addi %parallel_loop3A_171, %parallel_loop3A_173 : vector<16xi32>
        %parallel_loop3A_175 = arith.constant 0 : i32
        %parallel_loop3A_176 = vector.broadcast %parallel_loop3A_175 : i32 to vector<16xi32>
        %parallel_loop3A_177 = arith.cmpi slt, %parallel_loop3A_174, %parallel_loop3A_176 : vector<16xi32>
        %parallel_loop3A_178 = arith.constant 16 : i32
        %parallel_loop3A_179 = vector.broadcast %parallel_loop3A_178 : i32 to vector<16xi32>
        %parallel_loop3A_180 = arith.addi %parallel_loop3A_174, %parallel_loop3A_179 : vector<16xi32>
        %parallel_loop3A_181 = arith.select %parallel_loop3A_177, %parallel_loop3A_180, %parallel_loop3A_174 : vector<16xi1>, vector<16xi32>
        %parallel_loop3A_182 = vector.shape_cast %parallel_loop3A_181 : vector<16xi32> to vector<16x1xi32>
        %parallel_loop3A_183 = vector.shape_cast %parallel_loop3A_182 : vector<16x1xi32> to vector<16xi32>
        %parallel_loop3A_184 = tpu.dynamic_gather %parallel_loop3A_85[%parallel_loop3A_183] in [0] : vector<16xf32>, vector<16xi32> -> vector<16xf32>
        %parallel_loop3A_185 = arith.index_cast %parallel_loop3A_68 : i32 to index
        %parallel_loop3A_186 = arith.constant 48 : index
        %parallel_loop3A_187 = tpu.vector_load %arg9[%parallel_loop3A_185, %parallel_loop3A_186] {strides = array<i32>} : memref<125x144xf32, #tpu.memory_space<vmem>>, vector<1x16xf32>,
        %parallel_loop3A_188 = vector.shape_cast %parallel_loop3A_187 : vector<1x16xf32> to vector<16xf32>
        %parallel_loop3A_189 = arith.mulf %parallel_loop3A_188, %parallel_loop3A_184 : vector<16xf32>
        %parallel_loop3A_190 = arith.index_cast %parallel_loop3A_68 : i32 to index
        %parallel_loop3A_191 = arith.constant 48 : index
        %parallel_loop3A_192 = tpu.vector_load %arg11[%parallel_loop3A_190, %parallel_loop3A_191] {strides = array<i32>} : memref<125x144xf32, #tpu.memory_space<vmem>>, vector<1x16xf32>,
        %parallel_loop3A_193 = vector.shape_cast %parallel_loop3A_192 : vector<1x16xf32> to vector<16xf32>
        %parallel_loop3A_194 = vector.shape_cast %parallel_loop3A_189 : vector<16xf32> to vector<1x16xf32>
        tpu.vector_store %arg11[%parallel_loop3A_190, %parallel_loop3A_191], %parallel_loop3A_194 {strides = array<i32>} : memref<125x144xf32, #tpu.memory_space<vmem>>, vector<1x16xf32>,
        %parallel_loop3A_195 = arith.constant 0 : i32
        %parallel_loop3A_196 = vector.broadcast %parallel_loop3A_195 : i32 to vector<16xi32>
        %parallel_loop3A_197 = arith.muli %iota3A, %parallel_loop3A_196 : vector<16xi32>
        %parallel_loop3A_198 = arith.constant 4 : i32
        %parallel_loop3A_199 = vector.broadcast %parallel_loop3A_198 : i32 to vector<16xi32>
        %parallel_loop3A_200 = arith.addi %parallel_loop3A_197, %parallel_loop3A_199 : vector<16xi32>
        %parallel_loop3A_201 = arith.constant 0 : i32
        %parallel_loop3A_202 = vector.broadcast %parallel_loop3A_201 : i32 to vector<16xi32>
        %parallel_loop3A_203 = arith.cmpi slt, %parallel_loop3A_200, %parallel_loop3A_202 : vector<16xi32>
        %parallel_loop3A_204 = arith.constant 16 : i32
        %parallel_loop3A_205 = vector.broadcast %parallel_loop3A_204 : i32 to vector<16xi32>
        %parallel_loop3A_206 = arith.addi %parallel_loop3A_200, %parallel_loop3A_205 : vector<16xi32>
        %parallel_loop3A_207 = arith.select %parallel_loop3A_203, %parallel_loop3A_206, %parallel_loop3A_200 : vector<16xi1>, vector<16xi32>
        %parallel_loop3A_208 = vector.shape_cast %parallel_loop3A_207 : vector<16xi32> to vector<16x1xi32>
        %parallel_loop3A_209 = vector.shape_cast %parallel_loop3A_208 : vector<16x1xi32> to vector<16xi32>
        %parallel_loop3A_210 = tpu.dynamic_gather %parallel_loop3A_85[%parallel_loop3A_209] in [0] : vector<16xf32>, vector<16xi32> -> vector<16xf32>
        %parallel_loop3A_211 = arith.index_cast %parallel_loop3A_68 : i32 to index
        %parallel_loop3A_212 = arith.constant 64 : index
        %parallel_loop3A_213 = tpu.vector_load %arg9[%parallel_loop3A_211, %parallel_loop3A_212] {strides = array<i32>} : memref<125x144xf32, #tpu.memory_space<vmem>>, vector<1x16xf32>,
        %parallel_loop3A_214 = vector.shape_cast %parallel_loop3A_213 : vector<1x16xf32> to vector<16xf32>
        %parallel_loop3A_215 = arith.mulf %parallel_loop3A_214, %parallel_loop3A_210 : vector<16xf32>
        %parallel_loop3A_216 = arith.index_cast %parallel_loop3A_68 : i32 to index
        %parallel_loop3A_217 = arith.constant 64 : index
        %parallel_loop3A_218 = tpu.vector_load %arg11[%parallel_loop3A_216, %parallel_loop3A_217] {strides = array<i32>} : memref<125x144xf32, #tpu.memory_space<vmem>>, vector<1x16xf32>,
        %parallel_loop3A_219 = vector.shape_cast %parallel_loop3A_218 : vector<1x16xf32> to vector<16xf32>
        %parallel_loop3A_220 = vector.shape_cast %parallel_loop3A_215 : vector<16xf32> to vector<1x16xf32>
        tpu.vector_store %arg11[%parallel_loop3A_216, %parallel_loop3A_217], %parallel_loop3A_220 {strides = array<i32>} : memref<125x144xf32, #tpu.memory_space<vmem>>, vector<1x16xf32>,
        %parallel_loop3A_221 = arith.constant 0 : i32
        %parallel_loop3A_222 = vector.broadcast %parallel_loop3A_221 : i32 to vector<16xi32>
        %parallel_loop3A_223 = arith.muli %iota3A, %parallel_loop3A_222 : vector<16xi32>
        %parallel_loop3A_224 = arith.constant 5 : i32
        %parallel_loop3A_225 = vector.broadcast %parallel_loop3A_224 : i32 to vector<16xi32>
        %parallel_loop3A_226 = arith.addi %parallel_loop3A_223, %parallel_loop3A_225 : vector<16xi32>
        %parallel_loop3A_227 = arith.constant 0 : i32
        %parallel_loop3A_228 = vector.broadcast %parallel_loop3A_227 : i32 to vector<16xi32>
        %parallel_loop3A_229 = arith.cmpi slt, %parallel_loop3A_226, %parallel_loop3A_228 : vector<16xi32>
        %parallel_loop3A_230 = arith.constant 16 : i32
        %parallel_loop3A_231 = vector.broadcast %parallel_loop3A_230 : i32 to vector<16xi32>
        %parallel_loop3A_232 = arith.addi %parallel_loop3A_226, %parallel_loop3A_231 : vector<16xi32>
        %parallel_loop3A_233 = arith.select %parallel_loop3A_229, %parallel_loop3A_232, %parallel_loop3A_226 : vector<16xi1>, vector<16xi32>
        %parallel_loop3A_234 = vector.shape_cast %parallel_loop3A_233 : vector<16xi32> to vector<16x1xi32>
        %parallel_loop3A_235 = vector.shape_cast %parallel_loop3A_234 : vector<16x1xi32> to vector<16xi32>
        %parallel_loop3A_236 = tpu.dynamic_gather %parallel_loop3A_85[%parallel_loop3A_235] in [0] : vector<16xf32>, vector<16xi32> -> vector<16xf32>
        %parallel_loop3A_237 = arith.index_cast %parallel_loop3A_68 : i32 to index
        %parallel_loop3A_238 = arith.constant 80 : index
        %parallel_loop3A_239 = tpu.vector_load %arg9[%parallel_loop3A_237, %parallel_loop3A_238] {strides = array<i32>} : memref<125x144xf32, #tpu.memory_space<vmem>>, vector<1x16xf32>,
        %parallel_loop3A_240 = vector.shape_cast %parallel_loop3A_239 : vector<1x16xf32> to vector<16xf32>
        %parallel_loop3A_241 = arith.mulf %parallel_loop3A_240, %parallel_loop3A_236 : vector<16xf32>
        %parallel_loop3A_242 = arith.index_cast %parallel_loop3A_68 : i32 to index
        %parallel_loop3A_243 = arith.constant 80 : index
        %parallel_loop3A_244 = tpu.vector_load %arg11[%parallel_loop3A_242, %parallel_loop3A_243] {strides = array<i32>} : memref<125x144xf32, #tpu.memory_space<vmem>>, vector<1x16xf32>,
        %parallel_loop3A_245 = vector.shape_cast %parallel_loop3A_244 : vector<1x16xf32> to vector<16xf32>
        %parallel_loop3A_246 = vector.shape_cast %parallel_loop3A_241 : vector<16xf32> to vector<1x16xf32>
        tpu.vector_store %arg11[%parallel_loop3A_242, %parallel_loop3A_243], %parallel_loop3A_246 {strides = array<i32>} : memref<125x144xf32, #tpu.memory_space<vmem>>, vector<1x16xf32>,
        %parallel_loop3A_247 = arith.constant 0 : i32
        %parallel_loop3A_248 = vector.broadcast %parallel_loop3A_247 : i32 to vector<16xi32>
        %parallel_loop3A_249 = arith.muli %iota3A, %parallel_loop3A_248 : vector<16xi32>
        %parallel_loop3A_250 = arith.constant 6 : i32
        %parallel_loop3A_251 = vector.broadcast %parallel_loop3A_250 : i32 to vector<16xi32>
        %parallel_loop3A_252 = arith.addi %parallel_loop3A_249, %parallel_loop3A_251 : vector<16xi32>
        %parallel_loop3A_253 = arith.constant 0 : i32
        %parallel_loop3A_254 = vector.broadcast %parallel_loop3A_253 : i32 to vector<16xi32>
        %parallel_loop3A_255 = arith.cmpi slt, %parallel_loop3A_252, %parallel_loop3A_254 : vector<16xi32>
        %parallel_loop3A_256 = arith.constant 16 : i32
        %parallel_loop3A_257 = vector.broadcast %parallel_loop3A_256 : i32 to vector<16xi32>
        %parallel_loop3A_258 = arith.addi %parallel_loop3A_252, %parallel_loop3A_257 : vector<16xi32>
        %parallel_loop3A_259 = arith.select %parallel_loop3A_255, %parallel_loop3A_258, %parallel_loop3A_252 : vector<16xi1>, vector<16xi32>
        %parallel_loop3A_260 = vector.shape_cast %parallel_loop3A_259 : vector<16xi32> to vector<16x1xi32>
        %parallel_loop3A_261 = vector.shape_cast %parallel_loop3A_260 : vector<16x1xi32> to vector<16xi32>
        %parallel_loop3A_262 = tpu.dynamic_gather %parallel_loop3A_85[%parallel_loop3A_261] in [0] : vector<16xf32>, vector<16xi32> -> vector<16xf32>
        %parallel_loop3A_263 = arith.index_cast %parallel_loop3A_68 : i32 to index
        %parallel_loop3A_264 = arith.constant 96 : index
        %parallel_loop3A_265 = tpu.vector_load %arg9[%parallel_loop3A_263, %parallel_loop3A_264] {strides = array<i32>} : memref<125x144xf32, #tpu.memory_space<vmem>>, vector<1x16xf32>,
        %parallel_loop3A_266 = vector.shape_cast %parallel_loop3A_265 : vector<1x16xf32> to vector<16xf32>
        %parallel_loop3A_267 = arith.mulf %parallel_loop3A_266, %parallel_loop3A_262 : vector<16xf32>
        %parallel_loop3A_268 = arith.index_cast %parallel_loop3A_68 : i32 to index
        %parallel_loop3A_269 = arith.constant 96 : index
        %parallel_loop3A_270 = tpu.vector_load %arg11[%parallel_loop3A_268, %parallel_loop3A_269] {strides = array<i32>} : memref<125x144xf32, #tpu.memory_space<vmem>>, vector<1x16xf32>,
        %parallel_loop3A_271 = vector.shape_cast %parallel_loop3A_270 : vector<1x16xf32> to vector<16xf32>
        %parallel_loop3A_272 = vector.shape_cast %parallel_loop3A_267 : vector<16xf32> to vector<1x16xf32>
        tpu.vector_store %arg11[%parallel_loop3A_268, %parallel_loop3A_269], %parallel_loop3A_272 {strides = array<i32>} : memref<125x144xf32, #tpu.memory_space<vmem>>, vector<1x16xf32>,
        %parallel_loop3A_273 = arith.constant 0 : i32
        %parallel_loop3A_274 = vector.broadcast %parallel_loop3A_273 : i32 to vector<16xi32>
        %parallel_loop3A_275 = arith.muli %iota3A, %parallel_loop3A_274 : vector<16xi32>
        %parallel_loop3A_276 = arith.constant 7 : i32
        %parallel_loop3A_277 = vector.broadcast %parallel_loop3A_276 : i32 to vector<16xi32>
        %parallel_loop3A_278 = arith.addi %parallel_loop3A_275, %parallel_loop3A_277 : vector<16xi32>
        %parallel_loop3A_279 = arith.constant 0 : i32
        %parallel_loop3A_280 = vector.broadcast %parallel_loop3A_279 : i32 to vector<16xi32>
        %parallel_loop3A_281 = arith.cmpi slt, %parallel_loop3A_278, %parallel_loop3A_280 : vector<16xi32>
        %parallel_loop3A_282 = arith.constant 16 : i32
        %parallel_loop3A_283 = vector.broadcast %parallel_loop3A_282 : i32 to vector<16xi32>
        %parallel_loop3A_284 = arith.addi %parallel_loop3A_278, %parallel_loop3A_283 : vector<16xi32>
        %parallel_loop3A_285 = arith.select %parallel_loop3A_281, %parallel_loop3A_284, %parallel_loop3A_278 : vector<16xi1>, vector<16xi32>
        %parallel_loop3A_286 = vector.shape_cast %parallel_loop3A_285 : vector<16xi32> to vector<16x1xi32>
        %parallel_loop3A_287 = vector.shape_cast %parallel_loop3A_286 : vector<16x1xi32> to vector<16xi32>
        %parallel_loop3A_288 = tpu.dynamic_gather %parallel_loop3A_85[%parallel_loop3A_287] in [0] : vector<16xf32>, vector<16xi32> -> vector<16xf32>
        %parallel_loop3A_289 = arith.index_cast %parallel_loop3A_68 : i32 to index
        %parallel_loop3A_290 = arith.constant 112 : index
        %parallel_loop3A_291 = tpu.vector_load %arg9[%parallel_loop3A_289, %parallel_loop3A_290] {strides = array<i32>} : memref<125x144xf32, #tpu.memory_space<vmem>>, vector<1x16xf32>,
        %parallel_loop3A_292 = vector.shape_cast %parallel_loop3A_291 : vector<1x16xf32> to vector<16xf32>
        %parallel_loop3A_293 = arith.mulf %parallel_loop3A_292, %parallel_loop3A_288 : vector<16xf32>
        %parallel_loop3A_294 = arith.index_cast %parallel_loop3A_68 : i32 to index
        %parallel_loop3A_295 = arith.constant 112 : index
        %parallel_loop3A_296 = tpu.vector_load %arg11[%parallel_loop3A_294, %parallel_loop3A_295] {strides = array<i32>} : memref<125x144xf32, #tpu.memory_space<vmem>>, vector<1x16xf32>,
        %parallel_loop3A_297 = vector.shape_cast %parallel_loop3A_296 : vector<1x16xf32> to vector<16xf32>
        %parallel_loop3A_298 = vector.shape_cast %parallel_loop3A_293 : vector<16xf32> to vector<1x16xf32>
        tpu.vector_store %arg11[%parallel_loop3A_294, %parallel_loop3A_295], %parallel_loop3A_298 {strides = array<i32>} : memref<125x144xf32, #tpu.memory_space<vmem>>, vector<1x16xf32>,
      } {sc.loop_unroll_factor = 1 : i64, sc.parallel_access}
      %run_scoped3A_67 = arith.constant 0 : i32
      "tpu.region"() ({
        %run_scoped3A_68 = tpu.sem_alloc : memref<!tpu.dma_semaphore, #tpu.memory_space<semaphore_mem>>
        %dma_start3A_69 = arith.constant 0 : i32
        %dma_start3A_70 = tpu.memref_slice %arg8[%run_scoped3A_67, %dma_start3A_69] : memref<1x125xi32, #tpu.memory_space<vmem>> -> memref<1x125xi32, #tpu.memory_space<vmem>>
        %dma_start3A_71 = tpu.memref_squeeze %dma_start3A_70 : memref<1x125xi32, #tpu.memory_space<vmem>> -> memref<125xi32, #tpu.memory_space<vmem>>
        %dma_start3A_72 = arith.constant 0 : i32
        %dma_start3A_73 = arith.constant 0 : i32
        %dma_start3A_74 = tpu.memref_slice %arg12[%dma_start3A_72, %dma_start3A_73] : memref<10000x144xf32, #tpu.memory_space<vmem_shared>> -> memref<10000x144xf32, #tpu.memory_space<vmem_shared>>
        tpu.enqueue_indirect_dma source(%arg11 : memref<125x144xf32, #tpu.memory_space<vmem>>) target(%dma_start3A_74 : memref<10000x144xf32, #tpu.memory_space<vmem_shared>>) offsets(%dma_start3A_71 : memref<125xi32, #tpu.memory_space<vmem>>) semaphore(%run_scoped3A_68 : memref<!tpu.dma_semaphore, #tpu.memory_space<semaphore_mem>>) {add = true}
        %dma_wait3A_75 = arith.constant 0 : i32
        %dma_wait3A_76 = tpu.memref_slice %arg8[%run_scoped3A_67, %dma_wait3A_75] : memref<1x125xi32, #tpu.memory_space<vmem>> -> memref<1x125xi32, #tpu.memory_space<vmem>>
        %dma_wait3A_77 = tpu.memref_squeeze %dma_wait3A_76 : memref<1x125xi32, #tpu.memory_space<vmem>> -> memref<125xi32, #tpu.memory_space<vmem>>
        %dma_wait3A_78 = arith.constant 0 : i32
        %dma_wait3A_79 = arith.constant 0 : i32
        %dma_wait3A_80 = tpu.memref_slice %arg12[%dma_wait3A_78, %dma_wait3A_79] : memref<10000x144xf32, #tpu.memory_space<vmem_shared>> -> memref<10000x144xf32, #tpu.memory_space<vmem_shared>>
        tpu.wait_indirect_dma semaphore(%run_scoped3A_68 : memref<!tpu.dma_semaphore, #tpu.memory_space<semaphore_mem>>) src(%arg11 : memref<125x144xf32, #tpu.memory_space<vmem>>) dst(%dma_wait3A_80 : memref<10000x144xf32, #tpu.memory_space<vmem_shared>>)
        tpu.yield
      }) : () -> ()
    }
    %scan3A_29 = arith.constant 80 : i32
    %barrier3A_30 = arith.constant 0 : index
    tpu.barrier barrier_id(%barrier3A_30)
    %mul3A_31 = arith.constant 625 : i32
    %mul3A_32 = arith.muli %arg1, %mul3A_31 : i32
    "tpu.region"() ({
      %run_scoped3A = tpu.sem_alloc : memref<!tpu.dma_semaphore, #tpu.memory_space<semaphore_mem>>
      %dma_start3A = arith.constant 0 : i32
      %dma_start3A_33 = tpu.memref_slice %arg6[%arg0, %mul3A_32, %dma_start3A] : memref<2x10000x144xf32, #tpu.memory_space<hbm>> -> memref<1x625x144xf32, #tpu.memory_space<hbm>>
      %dma_start3A_34 = tpu.memref_squeeze %dma_start3A_33 : memref<1x625x144xf32, #tpu.memory_space<hbm>> -> memref<625x144xf32, #tpu.memory_space<hbm>>
      %dma_start3A_35 = arith.constant 0 : i32
      %dma_start3A_36 = tpu.memref_slice %arg12[%mul3A_32, %dma_start3A_35] : memref<10000x144xf32, #tpu.memory_space<vmem_shared>> -> memref<625x144xf32, #tpu.memory_space<vmem_shared>>
      tpu.enqueue_dma source(%dma_start3A_36 : memref<625x144xf32, #tpu.memory_space<vmem_shared>>) target(%dma_start3A_34 : memref<625x144xf32, #tpu.memory_space<hbm>>) target_semaphore(%run_scoped3A : memref<!tpu.dma_semaphore, #tpu.memory_space<semaphore_mem>>)
      %dma_wait3A = arith.constant 0 : i32
      %dma_wait3A_37 = tpu.memref_slice %arg6[%arg0, %mul3A_32, %dma_wait3A] : memref<2x10000x144xf32, #tpu.memory_space<hbm>> -> memref<1x625x144xf32, #tpu.memory_space<hbm>>
      %dma_wait3A_38 = tpu.memref_squeeze %dma_wait3A_37 : memref<1x625x144xf32, #tpu.memory_space<hbm>> -> memref<625x144xf32, #tpu.memory_space<hbm>>
      %dma_wait3A_39 = arith.constant 0 : i32
      %dma_wait3A_40 = tpu.memref_slice %arg12[%mul3A_32, %dma_wait3A_39] : memref<10000x144xf32, #tpu.memory_space<vmem_shared>> -> memref<625x144xf32, #tpu.memory_space<vmem_shared>>
      tpu.wait_dma2 semaphore(%run_scoped3A : memref<!tpu.dma_semaphore, #tpu.memory_space<semaphore_mem>>) src(%dma_wait3A_40 : memref<625x144xf32, #tpu.memory_space<vmem_shared>>) dst(%dma_wait3A_38 : memref<625x144xf32, #tpu.memory_space<hbm>>)
      tpu.yield
    }) : () -> ()
    return
  }
}

#map = affine_map<(d0, d1) -> (0, 0, 0)>
#map1 = affine_map<(d0, d1) -> (0, 0)>
module attributes {stable_mosaic.version = 14 : i64} {
  func.func @k(%arg0: i32, %arg1: i32, %arg2: memref<32x80x125xi32, #tpu.memory_space<hbm>>, %arg3: memref<32x80x125xi32, #tpu.memory_space<hbm>>, %arg4: memref<10000x80xf32, #tpu.memory_space<hbm>>, %arg5: memref<10000x16xf32, #tpu.memory_space<hbm>>, %arg6: memref<2x10000x80xf32, #tpu.memory_space<hbm>>, %arg7: memref<1x125xi32, #tpu.memory_space<vmem>>, %arg8: memref<1x125xi32, #tpu.memory_space<vmem>>, %arg9: memref<125x80xf32, #tpu.memory_space<vmem>>, %arg10: memref<125x16xf32, #tpu.memory_space<vmem>>, %arg11: memref<125x80xf32, #tpu.memory_space<vmem>>, %arg12: memref<10000x80xf32, #tpu.memory_space<vmem_shared>>, %arg13: memref<!tpu.dma_semaphore, #tpu.memory_space<semaphore_mem>>, %arg14: memref<!tpu.dma_semaphore, #tpu.memory_space<semaphore_mem>>) attributes {dimension_semantics = [#tpu.dimension_semantics<core_parallel>, #tpu.dimension_semantics<subcore_parallel>], iteration_bounds = array<i64: 2, 16>, scalar_prefetch = 0 : i64, scratch_operands = 8 : i64, tpu.core_type = #tpu.core_type<sc_vector_subcore>, window_params = [{transform_indices = #map}, {transform_indices = #map}, {transform_indices = #map1}, {transform_indices = #map1}, {transform_indices = #map}]} {
    %mul3A = arith.constant 16 : i32
    %mul3A_0 = arith.muli %arg0, %mul3A : i32
    %add3A = arith.addi %mul3A_0, %arg1 : i32
    %scan3A = arith.constant 0 : i32
    %scan3A_1 = arith.constant 125 : i32
    %scan3A_2 = arith.addi %scan3A, %scan3A_1 : i32
    %scan3A_3 = arith.constant 1 : i32
    scf.for %scan3A_33 = %scan3A to %scan3A_2 step %scan3A_3  : i32 {
      %mul3A_34 = arith.constant 1 : i32
      %mul3A_35 = arith.muli %scan3A_33, %mul3A_34 : i32
      %add3A_36 = arith.constant 0 : i32
      %add3A_37 = arith.addi %add3A_36, %mul3A_35 : i32
      %broadcast_in_dim3A = arith.constant 0.000000e+00 : f32
      %broadcast_in_dim3A_38 = vector.broadcast %broadcast_in_dim3A : f32 to vector<16xf32>
      %swap3A = arith.index_cast %add3A_37 : i32 to index
      %swap3A_39 = arith.constant 0 : index
      %swap3A_40 = tpu.vector_load %arg11[%swap3A, %swap3A_39] {strides = array<i32>} : memref<125x80xf32, #tpu.memory_space<vmem>>, vector<1x16xf32>,
      %swap3A_41 = vector.shape_cast %swap3A_40 : vector<1x16xf32> to vector<16xf32>
      %swap3A_42 = vector.shape_cast %broadcast_in_dim3A_38 : vector<16xf32> to vector<1x16xf32>
      tpu.vector_store %arg11[%swap3A, %swap3A_39], %swap3A_42 {strides = array<i32>} : memref<125x80xf32, #tpu.memory_space<vmem>>, vector<1x16xf32>,
      %broadcast_in_dim3A_43 = arith.constant 0.000000e+00 : f32
      %broadcast_in_dim3A_44 = vector.broadcast %broadcast_in_dim3A_43 : f32 to vector<16xf32>
      %swap3A_45 = arith.index_cast %add3A_37 : i32 to index
      %swap3A_46 = arith.constant 16 : index
      %swap3A_47 = tpu.vector_load %arg11[%swap3A_45, %swap3A_46] {strides = array<i32>} : memref<125x80xf32, #tpu.memory_space<vmem>>, vector<1x16xf32>,
      %swap3A_48 = vector.shape_cast %swap3A_47 : vector<1x16xf32> to vector<16xf32>
      %swap3A_49 = vector.shape_cast %broadcast_in_dim3A_44 : vector<16xf32> to vector<1x16xf32>
      tpu.vector_store %arg11[%swap3A_45, %swap3A_46], %swap3A_49 {strides = array<i32>} : memref<125x80xf32, #tpu.memory_space<vmem>>, vector<1x16xf32>,
      %broadcast_in_dim3A_50 = arith.constant 0.000000e+00 : f32
      %broadcast_in_dim3A_51 = vector.broadcast %broadcast_in_dim3A_50 : f32 to vector<16xf32>
      %swap3A_52 = arith.index_cast %add3A_37 : i32 to index
      %swap3A_53 = arith.constant 32 : index
      %swap3A_54 = tpu.vector_load %arg11[%swap3A_52, %swap3A_53] {strides = array<i32>} : memref<125x80xf32, #tpu.memory_space<vmem>>, vector<1x16xf32>,
      %swap3A_55 = vector.shape_cast %swap3A_54 : vector<1x16xf32> to vector<16xf32>
      %swap3A_56 = vector.shape_cast %broadcast_in_dim3A_51 : vector<16xf32> to vector<1x16xf32>
      tpu.vector_store %arg11[%swap3A_52, %swap3A_53], %swap3A_56 {strides = array<i32>} : memref<125x80xf32, #tpu.memory_space<vmem>>, vector<1x16xf32>,
      %broadcast_in_dim3A_57 = arith.constant 0.000000e+00 : f32
      %broadcast_in_dim3A_58 = vector.broadcast %broadcast_in_dim3A_57 : f32 to vector<16xf32>
      %swap3A_59 = arith.index_cast %add3A_37 : i32 to index
      %swap3A_60 = arith.constant 48 : index
      %swap3A_61 = tpu.vector_load %arg11[%swap3A_59, %swap3A_60] {strides = array<i32>} : memref<125x80xf32, #tpu.memory_space<vmem>>, vector<1x16xf32>,
      %swap3A_62 = vector.shape_cast %swap3A_61 : vector<1x16xf32> to vector<16xf32>
      %swap3A_63 = vector.shape_cast %broadcast_in_dim3A_58 : vector<16xf32> to vector<1x16xf32>
      tpu.vector_store %arg11[%swap3A_59, %swap3A_60], %swap3A_63 {strides = array<i32>} : memref<125x80xf32, #tpu.memory_space<vmem>>, vector<1x16xf32>,
      %broadcast_in_dim3A_64 = arith.constant 0.000000e+00 : f32
      %broadcast_in_dim3A_65 = vector.broadcast %broadcast_in_dim3A_64 : f32 to vector<16xf32>
      %swap3A_66 = arith.index_cast %add3A_37 : i32 to index
      %swap3A_67 = arith.constant 64 : index
      %swap3A_68 = tpu.vector_load %arg11[%swap3A_66, %swap3A_67] {strides = array<i32>} : memref<125x80xf32, #tpu.memory_space<vmem>>, vector<1x16xf32>,
      %swap3A_69 = vector.shape_cast %swap3A_68 : vector<1x16xf32> to vector<16xf32>
      %swap3A_70 = vector.shape_cast %broadcast_in_dim3A_65 : vector<16xf32> to vector<1x16xf32>
      tpu.vector_store %arg11[%swap3A_66, %swap3A_67], %swap3A_70 {strides = array<i32>} : memref<125x80xf32, #tpu.memory_space<vmem>>, vector<1x16xf32>,
    }
    %scan3A_4 = arith.constant 125 : i32
    %mul3A_5 = arith.constant 625 : i32
    %mul3A_6 = arith.muli %arg1, %mul3A_5 : i32
    %add3A_7 = arith.constant 0 : i32
    %add3A_8 = arith.addi %mul3A_6, %add3A_7 : i32
    "tpu.region"() ({
      %run_scoped3A = tpu.sem_alloc : memref<!tpu.dma_semaphore, #tpu.memory_space<semaphore_mem>>
      %dma_start3A = arith.constant 0 : i32
      %dma_start3A_33 = tpu.memref_slice %arg12[%add3A_8, %dma_start3A] : memref<10000x80xf32, #tpu.memory_space<vmem_shared>> -> memref<125x80xf32, #tpu.memory_space<vmem_shared>>
      %dma_start3A_34 = arith.constant 0 : i32
      %dma_start3A_35 = tpu.memref_slice %arg12[%add3A_8, %dma_start3A_34] : memref<10000x80xf32, #tpu.memory_space<vmem_shared>> -> memref<125x80xf32, #tpu.memory_space<vmem_shared>>
      tpu.enqueue_dma source(%arg11 : memref<125x80xf32, #tpu.memory_space<vmem>>) target(%dma_start3A_35 : memref<125x80xf32, #tpu.memory_space<vmem_shared>>) target_semaphore(%run_scoped3A : memref<!tpu.dma_semaphore, #tpu.memory_space<semaphore_mem>>)
      %dma_wait3A = arith.constant 0 : i32
      %dma_wait3A_36 = tpu.memref_slice %arg12[%add3A_8, %dma_wait3A] : memref<10000x80xf32, #tpu.memory_space<vmem_shared>> -> memref<125x80xf32, #tpu.memory_space<vmem_shared>>
      %dma_wait3A_37 = arith.constant 0 : i32
      %dma_wait3A_38 = tpu.memref_slice %arg12[%add3A_8, %dma_wait3A_37] : memref<10000x80xf32, #tpu.memory_space<vmem_shared>> -> memref<125x80xf32, #tpu.memory_space<vmem_shared>>
      tpu.wait_dma2 semaphore(%run_scoped3A : memref<!tpu.dma_semaphore, #tpu.memory_space<semaphore_mem>>) src(%arg11 : memref<125x80xf32, #tpu.memory_space<vmem>>) dst(%dma_wait3A_38 : memref<125x80xf32, #tpu.memory_space<vmem_shared>>)
      tpu.yield
    }) : () -> ()
    %mul3A_9 = arith.constant 625 : i32
    %mul3A_10 = arith.muli %arg1, %mul3A_9 : i32
    %add3A_11 = arith.constant 125 : i32
    %add3A_12 = arith.addi %mul3A_10, %add3A_11 : i32
    "tpu.region"() ({
      %run_scoped3A = tpu.sem_alloc : memref<!tpu.dma_semaphore, #tpu.memory_space<semaphore_mem>>
      %dma_start3A = arith.constant 0 : i32
      %dma_start3A_33 = tpu.memref_slice %arg12[%add3A_12, %dma_start3A] : memref<10000x80xf32, #tpu.memory_space<vmem_shared>> -> memref<125x80xf32, #tpu.memory_space<vmem_shared>>
      %dma_start3A_34 = arith.constant 0 : i32
      %dma_start3A_35 = tpu.memref_slice %arg12[%add3A_12, %dma_start3A_34] : memref<10000x80xf32, #tpu.memory_space<vmem_shared>> -> memref<125x80xf32, #tpu.memory_space<vmem_shared>>
      tpu.enqueue_dma source(%arg11 : memref<125x80xf32, #tpu.memory_space<vmem>>) target(%dma_start3A_35 : memref<125x80xf32, #tpu.memory_space<vmem_shared>>) target_semaphore(%run_scoped3A : memref<!tpu.dma_semaphore, #tpu.memory_space<semaphore_mem>>)
      %dma_wait3A = arith.constant 0 : i32
      %dma_wait3A_36 = tpu.memref_slice %arg12[%add3A_12, %dma_wait3A] : memref<10000x80xf32, #tpu.memory_space<vmem_shared>> -> memref<125x80xf32, #tpu.memory_space<vmem_shared>>
      %dma_wait3A_37 = arith.constant 0 : i32
      %dma_wait3A_38 = tpu.memref_slice %arg12[%add3A_12, %dma_wait3A_37] : memref<10000x80xf32, #tpu.memory_space<vmem_shared>> -> memref<125x80xf32, #tpu.memory_space<vmem_shared>>
      tpu.wait_dma2 semaphore(%run_scoped3A : memref<!tpu.dma_semaphore, #tpu.memory_space<semaphore_mem>>) src(%arg11 : memref<125x80xf32, #tpu.memory_space<vmem>>) dst(%dma_wait3A_38 : memref<125x80xf32, #tpu.memory_space<vmem_shared>>)
      tpu.yield
    }) : () -> ()
    %mul3A_13 = arith.constant 625 : i32
    %mul3A_14 = arith.muli %arg1, %mul3A_13 : i32
    %add3A_15 = arith.constant 250 : i32
    %add3A_16 = arith.addi %mul3A_14, %add3A_15 : i32
    "tpu.region"() ({
      %run_scoped3A = tpu.sem_alloc : memref<!tpu.dma_semaphore, #tpu.memory_space<semaphore_mem>>
      %dma_start3A = arith.constant 0 : i32
      %dma_start3A_33 = tpu.memref_slice %arg12[%add3A_16, %dma_start3A] : memref<10000x80xf32, #tpu.memory_space<vmem_shared>> -> memref<125x80xf32, #tpu.memory_space<vmem_shared>>
      %dma_start3A_34 = arith.constant 0 : i32
      %dma_start3A_35 = tpu.memref_slice %arg12[%add3A_16, %dma_start3A_34] : memref<10000x80xf32, #tpu.memory_space<vmem_shared>> -> memref<125x80xf32, #tpu.memory_space<vmem_shared>>
      tpu.enqueue_dma source(%arg11 : memref<125x80xf32, #tpu.memory_space<vmem>>) target(%dma_start3A_35 : memref<125x80xf32, #tpu.memory_space<vmem_shared>>) target_semaphore(%run_scoped3A : memref<!tpu.dma_semaphore, #tpu.memory_space<semaphore_mem>>)
      %dma_wait3A = arith.constant 0 : i32
      %dma_wait3A_36 = tpu.memref_slice %arg12[%add3A_16, %dma_wait3A] : memref<10000x80xf32, #tpu.memory_space<vmem_shared>> -> memref<125x80xf32, #tpu.memory_space<vmem_shared>>
      %dma_wait3A_37 = arith.constant 0 : i32
      %dma_wait3A_38 = tpu.memref_slice %arg12[%add3A_16, %dma_wait3A_37] : memref<10000x80xf32, #tpu.memory_space<vmem_shared>> -> memref<125x80xf32, #tpu.memory_space<vmem_shared>>
      tpu.wait_dma2 semaphore(%run_scoped3A : memref<!tpu.dma_semaphore, #tpu.memory_space<semaphore_mem>>) src(%arg11 : memref<125x80xf32, #tpu.memory_space<vmem>>) dst(%dma_wait3A_38 : memref<125x80xf32, #tpu.memory_space<vmem_shared>>)
      tpu.yield
    }) : () -> ()
    %mul3A_17 = arith.constant 625 : i32
    %mul3A_18 = arith.muli %arg1, %mul3A_17 : i32
    %add3A_19 = arith.constant 375 : i32
    %add3A_20 = arith.addi %mul3A_18, %add3A_19 : i32
    "tpu.region"() ({
      %run_scoped3A = tpu.sem_alloc : memref<!tpu.dma_semaphore, #tpu.memory_space<semaphore_mem>>
      %dma_start3A = arith.constant 0 : i32
      %dma_start3A_33 = tpu.memref_slice %arg12[%add3A_20, %dma_start3A] : memref<10000x80xf32, #tpu.memory_space<vmem_shared>> -> memref<125x80xf32, #tpu.memory_space<vmem_shared>>
      %dma_start3A_34 = arith.constant 0 : i32
      %dma_start3A_35 = tpu.memref_slice %arg12[%add3A_20, %dma_start3A_34] : memref<10000x80xf32, #tpu.memory_space<vmem_shared>> -> memref<125x80xf32, #tpu.memory_space<vmem_shared>>
      tpu.enqueue_dma source(%arg11 : memref<125x80xf32, #tpu.memory_space<vmem>>) target(%dma_start3A_35 : memref<125x80xf32, #tpu.memory_space<vmem_shared>>) target_semaphore(%run_scoped3A : memref<!tpu.dma_semaphore, #tpu.memory_space<semaphore_mem>>)
      %dma_wait3A = arith.constant 0 : i32
      %dma_wait3A_36 = tpu.memref_slice %arg12[%add3A_20, %dma_wait3A] : memref<10000x80xf32, #tpu.memory_space<vmem_shared>> -> memref<125x80xf32, #tpu.memory_space<vmem_shared>>
      %dma_wait3A_37 = arith.constant 0 : i32
      %dma_wait3A_38 = tpu.memref_slice %arg12[%add3A_20, %dma_wait3A_37] : memref<10000x80xf32, #tpu.memory_space<vmem_shared>> -> memref<125x80xf32, #tpu.memory_space<vmem_shared>>
      tpu.wait_dma2 semaphore(%run_scoped3A : memref<!tpu.dma_semaphore, #tpu.memory_space<semaphore_mem>>) src(%arg11 : memref<125x80xf32, #tpu.memory_space<vmem>>) dst(%dma_wait3A_38 : memref<125x80xf32, #tpu.memory_space<vmem_shared>>)
      tpu.yield
    }) : () -> ()
    %mul3A_21 = arith.constant 625 : i32
    %mul3A_22 = arith.muli %arg1, %mul3A_21 : i32
    %add3A_23 = arith.constant 500 : i32
    %add3A_24 = arith.addi %mul3A_22, %add3A_23 : i32
    "tpu.region"() ({
      %run_scoped3A = tpu.sem_alloc : memref<!tpu.dma_semaphore, #tpu.memory_space<semaphore_mem>>
      %dma_start3A = arith.constant 0 : i32
      %dma_start3A_33 = tpu.memref_slice %arg12[%add3A_24, %dma_start3A] : memref<10000x80xf32, #tpu.memory_space<vmem_shared>> -> memref<125x80xf32, #tpu.memory_space<vmem_shared>>
      %dma_start3A_34 = arith.constant 0 : i32
      %dma_start3A_35 = tpu.memref_slice %arg12[%add3A_24, %dma_start3A_34] : memref<10000x80xf32, #tpu.memory_space<vmem_shared>> -> memref<125x80xf32, #tpu.memory_space<vmem_shared>>
      tpu.enqueue_dma source(%arg11 : memref<125x80xf32, #tpu.memory_space<vmem>>) target(%dma_start3A_35 : memref<125x80xf32, #tpu.memory_space<vmem_shared>>) target_semaphore(%run_scoped3A : memref<!tpu.dma_semaphore, #tpu.memory_space<semaphore_mem>>)
      %dma_wait3A = arith.constant 0 : i32
      %dma_wait3A_36 = tpu.memref_slice %arg12[%add3A_24, %dma_wait3A] : memref<10000x80xf32, #tpu.memory_space<vmem_shared>> -> memref<125x80xf32, #tpu.memory_space<vmem_shared>>
      %dma_wait3A_37 = arith.constant 0 : i32
      %dma_wait3A_38 = tpu.memref_slice %arg12[%add3A_24, %dma_wait3A_37] : memref<10000x80xf32, #tpu.memory_space<vmem_shared>> -> memref<125x80xf32, #tpu.memory_space<vmem_shared>>
      tpu.wait_dma2 semaphore(%run_scoped3A : memref<!tpu.dma_semaphore, #tpu.memory_space<semaphore_mem>>) src(%arg11 : memref<125x80xf32, #tpu.memory_space<vmem>>) dst(%dma_wait3A_38 : memref<125x80xf32, #tpu.memory_space<vmem_shared>>)
      tpu.yield
    }) : () -> ()
    %barrier3A = arith.constant 0 : index
    tpu.barrier barrier_id(%barrier3A)
    %iota3A = tpu.iota {dimensions = array<i32: 0>} : vector<16xi32>
    %scan3A_25 = arith.constant 0 : i32
    %scan3A_26 = arith.constant 80 : i32
    %scan3A_27 = arith.addi %scan3A_25, %scan3A_26 : i32
    %scan3A_28 = arith.constant 1 : i32
    scf.for %scan3A_33 = %scan3A_25 to %scan3A_27 step %scan3A_28  : i32 {
      %mul3A_34 = arith.constant 1 : i32
      %mul3A_35 = arith.muli %scan3A_33, %mul3A_34 : i32
      %add3A_36 = arith.constant 0 : i32
      %add3A_37 = arith.addi %add3A_36, %mul3A_35 : i32
      %run_scoped3A = arith.constant 0 : i32
      "tpu.region"() ({
        %run_scoped3A_68 = tpu.sem_alloc : memref<!tpu.dma_semaphore, #tpu.memory_space<semaphore_mem>>
        %dma_start3A_69 = arith.constant 0 : i32
        %dma_start3A_70 = tpu.memref_slice %arg7[%run_scoped3A, %dma_start3A_69] : memref<1x125xi32, #tpu.memory_space<vmem>> -> memref<1x125xi32, #tpu.memory_space<vmem>>
        %dma_start3A_71 = tpu.memref_squeeze %dma_start3A_70 : memref<1x125xi32, #tpu.memory_space<vmem>> -> memref<125xi32, #tpu.memory_space<vmem>>
        %dma_start3A_72 = arith.constant 0 : i32
        %dma_start3A_73 = tpu.memref_slice %arg2[%add3A, %add3A_37, %dma_start3A_72] : memref<32x80x125xi32, #tpu.memory_space<hbm>> -> memref<1x1x125xi32, #tpu.memory_space<hbm>>
        %dma_start3A_74 = tpu.memref_squeeze %dma_start3A_73 : memref<1x1x125xi32, #tpu.memory_space<hbm>> -> memref<125xi32, #tpu.memory_space<hbm>>
        %dma_start3A_75 = arith.constant 0 : i32
        %dma_start3A_76 = tpu.memref_slice %arg7[%run_scoped3A, %dma_start3A_75] : memref<1x125xi32, #tpu.memory_space<vmem>> -> memref<1x125xi32, #tpu.memory_space<vmem>>
        %dma_start3A_77 = tpu.memref_squeeze %dma_start3A_76 : memref<1x125xi32, #tpu.memory_space<vmem>> -> memref<125xi32, #tpu.memory_space<vmem>>
        %dma_start3A_78 = arith.constant 0 : i32
        %dma_start3A_79 = tpu.memref_slice %arg2[%add3A, %add3A_37, %dma_start3A_78] : memref<32x80x125xi32, #tpu.memory_space<hbm>> -> memref<1x1x125xi32, #tpu.memory_space<hbm>>
        %dma_start3A_80 = tpu.memref_squeeze %dma_start3A_79 : memref<1x1x125xi32, #tpu.memory_space<hbm>> -> memref<125xi32, #tpu.memory_space<hbm>>
        tpu.enqueue_dma source(%dma_start3A_80 : memref<125xi32, #tpu.memory_space<hbm>>) target(%dma_start3A_77 : memref<125xi32, #tpu.memory_space<vmem>>) target_semaphore(%run_scoped3A_68 : memref<!tpu.dma_semaphore, #tpu.memory_space<semaphore_mem>>)
        %dma_wait3A_81 = arith.constant 0 : i32
        %dma_wait3A_82 = tpu.memref_slice %arg7[%run_scoped3A, %dma_wait3A_81] : memref<1x125xi32, #tpu.memory_space<vmem>> -> memref<1x125xi32, #tpu.memory_space<vmem>>
        %dma_wait3A_83 = tpu.memref_squeeze %dma_wait3A_82 : memref<1x125xi32, #tpu.memory_space<vmem>> -> memref<125xi32, #tpu.memory_space<vmem>>
        %dma_wait3A_84 = arith.constant 0 : i32
        %dma_wait3A_85 = tpu.memref_slice %arg2[%add3A, %add3A_37, %dma_wait3A_84] : memref<32x80x125xi32, #tpu.memory_space<hbm>> -> memref<1x1x125xi32, #tpu.memory_space<hbm>>
        %dma_wait3A_86 = tpu.memref_squeeze %dma_wait3A_85 : memref<1x1x125xi32, #tpu.memory_space<hbm>> -> memref<125xi32, #tpu.memory_space<hbm>>
        %dma_wait3A_87 = arith.constant 0 : i32
        %dma_wait3A_88 = tpu.memref_slice %arg7[%run_scoped3A, %dma_wait3A_87] : memref<1x125xi32, #tpu.memory_space<vmem>> -> memref<1x125xi32, #tpu.memory_space<vmem>>
        %dma_wait3A_89 = tpu.memref_squeeze %dma_wait3A_88 : memref<1x125xi32, #tpu.memory_space<vmem>> -> memref<125xi32, #tpu.memory_space<vmem>>
        %dma_wait3A_90 = arith.constant 0 : i32
        %dma_wait3A_91 = tpu.memref_slice %arg2[%add3A, %add3A_37, %dma_wait3A_90] : memref<32x80x125xi32, #tpu.memory_space<hbm>> -> memref<1x1x125xi32, #tpu.memory_space<hbm>>
        %dma_wait3A_92 = tpu.memref_squeeze %dma_wait3A_91 : memref<1x1x125xi32, #tpu.memory_space<hbm>> -> memref<125xi32, #tpu.memory_space<hbm>>
        tpu.wait_dma2 semaphore(%run_scoped3A_68 : memref<!tpu.dma_semaphore, #tpu.memory_space<semaphore_mem>>) src(%dma_wait3A_92 : memref<125xi32, #tpu.memory_space<hbm>>) dst(%dma_wait3A_89 : memref<125xi32, #tpu.memory_space<vmem>>)
        tpu.yield
      }) : () -> ()
      %run_scoped3A_38 = arith.constant 0 : i32
      "tpu.region"() ({
        %run_scoped3A_68 = tpu.sem_alloc : memref<!tpu.dma_semaphore, #tpu.memory_space<semaphore_mem>>
        %dma_start3A_69 = arith.constant 0 : i32
        %dma_start3A_70 = tpu.memref_slice %arg8[%run_scoped3A_38, %dma_start3A_69] : memref<1x125xi32, #tpu.memory_space<vmem>> -> memref<1x125xi32, #tpu.memory_space<vmem>>
        %dma_start3A_71 = tpu.memref_squeeze %dma_start3A_70 : memref<1x125xi32, #tpu.memory_space<vmem>> -> memref<125xi32, #tpu.memory_space<vmem>>
        %dma_start3A_72 = arith.constant 0 : i32
        %dma_start3A_73 = tpu.memref_slice %arg3[%add3A, %add3A_37, %dma_start3A_72] : memref<32x80x125xi32, #tpu.memory_space<hbm>> -> memref<1x1x125xi32, #tpu.memory_space<hbm>>
        %dma_start3A_74 = tpu.memref_squeeze %dma_start3A_73 : memref<1x1x125xi32, #tpu.memory_space<hbm>> -> memref<125xi32, #tpu.memory_space<hbm>>
        %dma_start3A_75 = arith.constant 0 : i32
        %dma_start3A_76 = tpu.memref_slice %arg8[%run_scoped3A_38, %dma_start3A_75] : memref<1x125xi32, #tpu.memory_space<vmem>> -> memref<1x125xi32, #tpu.memory_space<vmem>>
        %dma_start3A_77 = tpu.memref_squeeze %dma_start3A_76 : memref<1x125xi32, #tpu.memory_space<vmem>> -> memref<125xi32, #tpu.memory_space<vmem>>
        %dma_start3A_78 = arith.constant 0 : i32
        %dma_start3A_79 = tpu.memref_slice %arg3[%add3A, %add3A_37, %dma_start3A_78] : memref<32x80x125xi32, #tpu.memory_space<hbm>> -> memref<1x1x125xi32, #tpu.memory_space<hbm>>
        %dma_start3A_80 = tpu.memref_squeeze %dma_start3A_79 : memref<1x1x125xi32, #tpu.memory_space<hbm>> -> memref<125xi32, #tpu.memory_space<hbm>>
        tpu.enqueue_dma source(%dma_start3A_80 : memref<125xi32, #tpu.memory_space<hbm>>) target(%dma_start3A_77 : memref<125xi32, #tpu.memory_space<vmem>>) target_semaphore(%run_scoped3A_68 : memref<!tpu.dma_semaphore, #tpu.memory_space<semaphore_mem>>)
        %dma_wait3A_81 = arith.constant 0 : i32
        %dma_wait3A_82 = tpu.memref_slice %arg8[%run_scoped3A_38, %dma_wait3A_81] : memref<1x125xi32, #tpu.memory_space<vmem>> -> memref<1x125xi32, #tpu.memory_space<vmem>>
        %dma_wait3A_83 = tpu.memref_squeeze %dma_wait3A_82 : memref<1x125xi32, #tpu.memory_space<vmem>> -> memref<125xi32, #tpu.memory_space<vmem>>
        %dma_wait3A_84 = arith.constant 0 : i32
        %dma_wait3A_85 = tpu.memref_slice %arg3[%add3A, %add3A_37, %dma_wait3A_84] : memref<32x80x125xi32, #tpu.memory_space<hbm>> -> memref<1x1x125xi32, #tpu.memory_space<hbm>>
        %dma_wait3A_86 = tpu.memref_squeeze %dma_wait3A_85 : memref<1x1x125xi32, #tpu.memory_space<hbm>> -> memref<125xi32, #tpu.memory_space<hbm>>
        %dma_wait3A_87 = arith.constant 0 : i32
        %dma_wait3A_88 = tpu.memref_slice %arg8[%run_scoped3A_38, %dma_wait3A_87] : memref<1x125xi32, #tpu.memory_space<vmem>> -> memref<1x125xi32, #tpu.memory_space<vmem>>
        %dma_wait3A_89 = tpu.memref_squeeze %dma_wait3A_88 : memref<1x125xi32, #tpu.memory_space<vmem>> -> memref<125xi32, #tpu.memory_space<vmem>>
        %dma_wait3A_90 = arith.constant 0 : i32
        %dma_wait3A_91 = tpu.memref_slice %arg3[%add3A, %add3A_37, %dma_wait3A_90] : memref<32x80x125xi32, #tpu.memory_space<hbm>> -> memref<1x1x125xi32, #tpu.memory_space<hbm>>
        %dma_wait3A_92 = tpu.memref_squeeze %dma_wait3A_91 : memref<1x1x125xi32, #tpu.memory_space<hbm>> -> memref<125xi32, #tpu.memory_space<hbm>>
        tpu.wait_dma2 semaphore(%run_scoped3A_68 : memref<!tpu.dma_semaphore, #tpu.memory_space<semaphore_mem>>) src(%dma_wait3A_92 : memref<125xi32, #tpu.memory_space<hbm>>) dst(%dma_wait3A_89 : memref<125xi32, #tpu.memory_space<vmem>>)
        tpu.yield
      }) : () -> ()
      %dma_start3A = arith.constant 0 : i32
      %dma_start3A_39 = arith.constant 0 : i32
      %dma_start3A_40 = tpu.memref_slice %arg7[%dma_start3A, %dma_start3A_39] : memref<1x125xi32, #tpu.memory_space<vmem>> -> memref<1x125xi32, #tpu.memory_space<vmem>>
      %dma_start3A_41 = tpu.memref_squeeze %dma_start3A_40 : memref<1x125xi32, #tpu.memory_space<vmem>> -> memref<125xi32, #tpu.memory_space<vmem>>
      %dma_start3A_42 = arith.constant 0 : i32
      %dma_start3A_43 = arith.constant 0 : i32
      %dma_start3A_44 = tpu.memref_slice %arg4[%dma_start3A_42, %dma_start3A_43] : memref<10000x80xf32, #tpu.memory_space<hbm>> -> memref<10000x80xf32, #tpu.memory_space<hbm>>
      tpu.enqueue_indirect_dma source(%dma_start3A_44 : memref<10000x80xf32, #tpu.memory_space<hbm>>) target(%arg9 : memref<125x80xf32, #tpu.memory_space<vmem>>) offsets(%dma_start3A_41 : memref<125xi32, #tpu.memory_space<vmem>>) semaphore(%arg13 : memref<!tpu.dma_semaphore, #tpu.memory_space<semaphore_mem>>)
      %dma_start3A_45 = arith.constant 0 : i32
      %dma_start3A_46 = arith.constant 0 : i32
      %dma_start3A_47 = tpu.memref_slice %arg8[%dma_start3A_45, %dma_start3A_46] : memref<1x125xi32, #tpu.memory_space<vmem>> -> memref<1x125xi32, #tpu.memory_space<vmem>>
      %dma_start3A_48 = tpu.memref_squeeze %dma_start3A_47 : memref<1x125xi32, #tpu.memory_space<vmem>> -> memref<125xi32, #tpu.memory_space<vmem>>
      %dma_start3A_49 = arith.constant 0 : i32
      %dma_start3A_50 = arith.constant 0 : i32
      %dma_start3A_51 = tpu.memref_slice %arg5[%dma_start3A_49, %dma_start3A_50] : memref<10000x16xf32, #tpu.memory_space<hbm>> -> memref<10000x16xf32, #tpu.memory_space<hbm>>
      tpu.enqueue_indirect_dma source(%dma_start3A_51 : memref<10000x16xf32, #tpu.memory_space<hbm>>) target(%arg10 : memref<125x16xf32, #tpu.memory_space<vmem>>) offsets(%dma_start3A_48 : memref<125xi32, #tpu.memory_space<vmem>>) semaphore(%arg14 : memref<!tpu.dma_semaphore, #tpu.memory_space<semaphore_mem>>)
      %dma_wait3A = arith.constant 0 : i32
      %dma_wait3A_52 = arith.constant 0 : i32
      %dma_wait3A_53 = tpu.memref_slice %arg7[%dma_wait3A, %dma_wait3A_52] : memref<1x125xi32, #tpu.memory_space<vmem>> -> memref<1x125xi32, #tpu.memory_space<vmem>>
      %dma_wait3A_54 = tpu.memref_squeeze %dma_wait3A_53 : memref<1x125xi32, #tpu.memory_space<vmem>> -> memref<125xi32, #tpu.memory_space<vmem>>
      %dma_wait3A_55 = arith.constant 0 : i32
      %dma_wait3A_56 = arith.constant 0 : i32
      %dma_wait3A_57 = tpu.memref_slice %arg4[%dma_wait3A_55, %dma_wait3A_56] : memref<10000x80xf32, #tpu.memory_space<hbm>> -> memref<10000x80xf32, #tpu.memory_space<hbm>>
      tpu.wait_indirect_dma semaphore(%arg13 : memref<!tpu.dma_semaphore, #tpu.memory_space<semaphore_mem>>) src(%dma_wait3A_57 : memref<10000x80xf32, #tpu.memory_space<hbm>>) dst(%arg9 : memref<125x80xf32, #tpu.memory_space<vmem>>)
      %dma_wait3A_58 = arith.constant 0 : i32
      %dma_wait3A_59 = arith.constant 0 : i32
      %dma_wait3A_60 = tpu.memref_slice %arg8[%dma_wait3A_58, %dma_wait3A_59] : memref<1x125xi32, #tpu.memory_space<vmem>> -> memref<1x125xi32, #tpu.memory_space<vmem>>
      %dma_wait3A_61 = tpu.memref_squeeze %dma_wait3A_60 : memref<1x125xi32, #tpu.memory_space<vmem>> -> memref<125xi32, #tpu.memory_space<vmem>>
      %dma_wait3A_62 = arith.constant 0 : i32
      %dma_wait3A_63 = arith.constant 0 : i32
      %dma_wait3A_64 = tpu.memref_slice %arg5[%dma_wait3A_62, %dma_wait3A_63] : memref<10000x16xf32, #tpu.memory_space<hbm>> -> memref<10000x16xf32, #tpu.memory_space<hbm>>
      tpu.wait_indirect_dma semaphore(%arg14 : memref<!tpu.dma_semaphore, #tpu.memory_space<semaphore_mem>>) src(%dma_wait3A_64 : memref<10000x16xf32, #tpu.memory_space<hbm>>) dst(%arg10 : memref<125x16xf32, #tpu.memory_space<vmem>>)
      %parallel_loop3A = arith.constant 0 : i32
      %parallel_loop3A_65 = arith.constant 125 : i32
      %parallel_loop3A_66 = arith.constant 1 : i32
      scf.for %parallel_loop3A_68 = %parallel_loop3A to %parallel_loop3A_65 step %parallel_loop3A_66  : i32 {
        %parallel_loop3A_69 = arith.index_cast %parallel_loop3A_68 : i32 to index
        %parallel_loop3A_70 = arith.constant 64 : index
        %parallel_loop3A_71 = tpu.vector_load %arg9[%parallel_loop3A_69, %parallel_loop3A_70] {strides = array<i32>} : memref<125x80xf32, #tpu.memory_space<vmem>>, vector<1x16xf32>,
        %parallel_loop3A_72 = vector.shape_cast %parallel_loop3A_71 : vector<1x16xf32> to vector<16xf32>
        %parallel_loop3A_73 = arith.index_cast %parallel_loop3A_68 : i32 to index
        %parallel_loop3A_74 = arith.constant 0 : index
        %parallel_loop3A_75 = tpu.vector_load %arg10[%parallel_loop3A_73, %parallel_loop3A_74] {strides = array<i32>} : memref<125x16xf32, #tpu.memory_space<vmem>>, vector<1x16xf32>,
        %parallel_loop3A_76 = vector.shape_cast %parallel_loop3A_75 : vector<1x16xf32> to vector<16xf32>
        %parallel_loop3A_77 = arith.addf %parallel_loop3A_72, %parallel_loop3A_76 : vector<16xf32>
        %parallel_loop3A_78 = arith.constant 0.000000e+00 : f32
        %parallel_loop3A_79 = vector.broadcast %parallel_loop3A_78 : f32 to vector<16xf32>
        %parallel_loop3A_80 = arith.cmpf oge, %parallel_loop3A_77, %parallel_loop3A_79 : vector<16xf32>
        %parallel_loop3A_81 = arith.constant 2.000000e-01 : f32
        %parallel_loop3A_82 = vector.broadcast %parallel_loop3A_81 : f32 to vector<16xf32>
        %parallel_loop3A_83 = arith.mulf %parallel_loop3A_82, %parallel_loop3A_77 : vector<16xf32>
        %parallel_loop3A_84 = arith.select %parallel_loop3A_80, %parallel_loop3A_77, %parallel_loop3A_83 : vector<16xi1>, vector<16xf32>
        %parallel_loop3A_85 = math.exp %parallel_loop3A_84 : vector<16xf32>
        %parallel_loop3A_86 = arith.index_cast %parallel_loop3A_68 : i32 to index
        %parallel_loop3A_87 = arith.constant 64 : index
        %parallel_loop3A_88 = tpu.vector_load %arg11[%parallel_loop3A_86, %parallel_loop3A_87] {strides = array<i32>} : memref<125x80xf32, #tpu.memory_space<vmem>>, vector<1x16xf32>,
        %parallel_loop3A_89 = vector.shape_cast %parallel_loop3A_88 : vector<1x16xf32> to vector<16xf32>
        %parallel_loop3A_90 = vector.shape_cast %parallel_loop3A_85 : vector<16xf32> to vector<1x16xf32>
        tpu.vector_store %arg11[%parallel_loop3A_86, %parallel_loop3A_87], %parallel_loop3A_90 {strides = array<i32>} : memref<125x80xf32, #tpu.memory_space<vmem>>, vector<1x16xf32>,
        %parallel_loop3A_91 = arith.constant 0 : i32
        %parallel_loop3A_92 = vector.broadcast %parallel_loop3A_91 : i32 to vector<16xi32>
        %parallel_loop3A_93 = arith.muli %iota3A, %parallel_loop3A_92 : vector<16xi32>
        %parallel_loop3A_94 = arith.constant 0 : i32
        %parallel_loop3A_95 = vector.broadcast %parallel_loop3A_94 : i32 to vector<16xi32>
        %parallel_loop3A_96 = arith.addi %parallel_loop3A_93, %parallel_loop3A_95 : vector<16xi32>
        %parallel_loop3A_97 = arith.constant 0 : i32
        %parallel_loop3A_98 = vector.broadcast %parallel_loop3A_97 : i32 to vector<16xi32>
        %parallel_loop3A_99 = arith.cmpi slt, %parallel_loop3A_96, %parallel_loop3A_98 : vector<16xi32>
        %parallel_loop3A_100 = arith.constant 16 : i32
        %parallel_loop3A_101 = vector.broadcast %parallel_loop3A_100 : i32 to vector<16xi32>
        %parallel_loop3A_102 = arith.addi %parallel_loop3A_96, %parallel_loop3A_101 : vector<16xi32>
        %parallel_loop3A_103 = arith.select %parallel_loop3A_99, %parallel_loop3A_102, %parallel_loop3A_96 : vector<16xi1>, vector<16xi32>
        %parallel_loop3A_104 = vector.shape_cast %parallel_loop3A_103 : vector<16xi32> to vector<16x1xi32>
        %parallel_loop3A_105 = vector.shape_cast %parallel_loop3A_104 : vector<16x1xi32> to vector<16xi32>
        %parallel_loop3A_106 = tpu.dynamic_gather %parallel_loop3A_85[%parallel_loop3A_105] in [0] : vector<16xf32>, vector<16xi32> -> vector<16xf32>
        %parallel_loop3A_107 = arith.index_cast %parallel_loop3A_68 : i32 to index
        %parallel_loop3A_108 = arith.constant 0 : index
        %parallel_loop3A_109 = tpu.vector_load %arg9[%parallel_loop3A_107, %parallel_loop3A_108] {strides = array<i32>} : memref<125x80xf32, #tpu.memory_space<vmem>>, vector<1x16xf32>,
        %parallel_loop3A_110 = vector.shape_cast %parallel_loop3A_109 : vector<1x16xf32> to vector<16xf32>
        %parallel_loop3A_111 = arith.mulf %parallel_loop3A_110, %parallel_loop3A_106 : vector<16xf32>
        %parallel_loop3A_112 = arith.index_cast %parallel_loop3A_68 : i32 to index
        %parallel_loop3A_113 = arith.constant 0 : index
        %parallel_loop3A_114 = tpu.vector_load %arg11[%parallel_loop3A_112, %parallel_loop3A_113] {strides = array<i32>} : memref<125x80xf32, #tpu.memory_space<vmem>>, vector<1x16xf32>,
        %parallel_loop3A_115 = vector.shape_cast %parallel_loop3A_114 : vector<1x16xf32> to vector<16xf32>
        %parallel_loop3A_116 = vector.shape_cast %parallel_loop3A_111 : vector<16xf32> to vector<1x16xf32>
        tpu.vector_store %arg11[%parallel_loop3A_112, %parallel_loop3A_113], %parallel_loop3A_116 {strides = array<i32>} : memref<125x80xf32, #tpu.memory_space<vmem>>, vector<1x16xf32>,
        %parallel_loop3A_117 = arith.constant 0 : i32
        %parallel_loop3A_118 = vector.broadcast %parallel_loop3A_117 : i32 to vector<16xi32>
        %parallel_loop3A_119 = arith.muli %iota3A, %parallel_loop3A_118 : vector<16xi32>
        %parallel_loop3A_120 = arith.constant 0 : i32
        %parallel_loop3A_121 = vector.broadcast %parallel_loop3A_120 : i32 to vector<16xi32>
        %parallel_loop3A_122 = arith.addi %parallel_loop3A_119, %parallel_loop3A_121 : vector<16xi32>
        %parallel_loop3A_123 = arith.constant 0 : i32
        %parallel_loop3A_124 = vector.broadcast %parallel_loop3A_123 : i32 to vector<16xi32>
        %parallel_loop3A_125 = arith.cmpi slt, %parallel_loop3A_122, %parallel_loop3A_124 : vector<16xi32>
        %parallel_loop3A_126 = arith.constant 16 : i32
        %parallel_loop3A_127 = vector.broadcast %parallel_loop3A_126 : i32 to vector<16xi32>
        %parallel_loop3A_128 = arith.addi %parallel_loop3A_122, %parallel_loop3A_127 : vector<16xi32>
        %parallel_loop3A_129 = arith.select %parallel_loop3A_125, %parallel_loop3A_128, %parallel_loop3A_122 : vector<16xi1>, vector<16xi32>
        %parallel_loop3A_130 = vector.shape_cast %parallel_loop3A_129 : vector<16xi32> to vector<16x1xi32>
        %parallel_loop3A_131 = vector.shape_cast %parallel_loop3A_130 : vector<16x1xi32> to vector<16xi32>
        %parallel_loop3A_132 = tpu.dynamic_gather %parallel_loop3A_85[%parallel_loop3A_131] in [0] : vector<16xf32>, vector<16xi32> -> vector<16xf32>
        %parallel_loop3A_133 = arith.index_cast %parallel_loop3A_68 : i32 to index
        %parallel_loop3A_134 = arith.constant 16 : index
        %parallel_loop3A_135 = tpu.vector_load %arg9[%parallel_loop3A_133, %parallel_loop3A_134] {strides = array<i32>} : memref<125x80xf32, #tpu.memory_space<vmem>>, vector<1x16xf32>,
        %parallel_loop3A_136 = vector.shape_cast %parallel_loop3A_135 : vector<1x16xf32> to vector<16xf32>
        %parallel_loop3A_137 = arith.mulf %parallel_loop3A_136, %parallel_loop3A_132 : vector<16xf32>
        %parallel_loop3A_138 = arith.index_cast %parallel_loop3A_68 : i32 to index
        %parallel_loop3A_139 = arith.constant 16 : index
        %parallel_loop3A_140 = tpu.vector_load %arg11[%parallel_loop3A_138, %parallel_loop3A_139] {strides = array<i32>} : memref<125x80xf32, #tpu.memory_space<vmem>>, vector<1x16xf32>,
        %parallel_loop3A_141 = vector.shape_cast %parallel_loop3A_140 : vector<1x16xf32> to vector<16xf32>
        %parallel_loop3A_142 = vector.shape_cast %parallel_loop3A_137 : vector<16xf32> to vector<1x16xf32>
        tpu.vector_store %arg11[%parallel_loop3A_138, %parallel_loop3A_139], %parallel_loop3A_142 {strides = array<i32>} : memref<125x80xf32, #tpu.memory_space<vmem>>, vector<1x16xf32>,
        %parallel_loop3A_143 = arith.constant 0 : i32
        %parallel_loop3A_144 = vector.broadcast %parallel_loop3A_143 : i32 to vector<16xi32>
        %parallel_loop3A_145 = arith.muli %iota3A, %parallel_loop3A_144 : vector<16xi32>
        %parallel_loop3A_146 = arith.constant 0 : i32
        %parallel_loop3A_147 = vector.broadcast %parallel_loop3A_146 : i32 to vector<16xi32>
        %parallel_loop3A_148 = arith.addi %parallel_loop3A_145, %parallel_loop3A_147 : vector<16xi32>
        %parallel_loop3A_149 = arith.constant 0 : i32
        %parallel_loop3A_150 = vector.broadcast %parallel_loop3A_149 : i32 to vector<16xi32>
        %parallel_loop3A_151 = arith.cmpi slt, %parallel_loop3A_148, %parallel_loop3A_150 : vector<16xi32>
        %parallel_loop3A_152 = arith.constant 16 : i32
        %parallel_loop3A_153 = vector.broadcast %parallel_loop3A_152 : i32 to vector<16xi32>
        %parallel_loop3A_154 = arith.addi %parallel_loop3A_148, %parallel_loop3A_153 : vector<16xi32>
        %parallel_loop3A_155 = arith.select %parallel_loop3A_151, %parallel_loop3A_154, %parallel_loop3A_148 : vector<16xi1>, vector<16xi32>
        %parallel_loop3A_156 = vector.shape_cast %parallel_loop3A_155 : vector<16xi32> to vector<16x1xi32>
        %parallel_loop3A_157 = vector.shape_cast %parallel_loop3A_156 : vector<16x1xi32> to vector<16xi32>
        %parallel_loop3A_158 = tpu.dynamic_gather %parallel_loop3A_85[%parallel_loop3A_157] in [0] : vector<16xf32>, vector<16xi32> -> vector<16xf32>
        %parallel_loop3A_159 = arith.index_cast %parallel_loop3A_68 : i32 to index
        %parallel_loop3A_160 = arith.constant 32 : index
        %parallel_loop3A_161 = tpu.vector_load %arg9[%parallel_loop3A_159, %parallel_loop3A_160] {strides = array<i32>} : memref<125x80xf32, #tpu.memory_space<vmem>>, vector<1x16xf32>,
        %parallel_loop3A_162 = vector.shape_cast %parallel_loop3A_161 : vector<1x16xf32> to vector<16xf32>
        %parallel_loop3A_163 = arith.mulf %parallel_loop3A_162, %parallel_loop3A_158 : vector<16xf32>
        %parallel_loop3A_164 = arith.index_cast %parallel_loop3A_68 : i32 to index
        %parallel_loop3A_165 = arith.constant 32 : index
        %parallel_loop3A_166 = tpu.vector_load %arg11[%parallel_loop3A_164, %parallel_loop3A_165] {strides = array<i32>} : memref<125x80xf32, #tpu.memory_space<vmem>>, vector<1x16xf32>,
        %parallel_loop3A_167 = vector.shape_cast %parallel_loop3A_166 : vector<1x16xf32> to vector<16xf32>
        %parallel_loop3A_168 = vector.shape_cast %parallel_loop3A_163 : vector<16xf32> to vector<1x16xf32>
        tpu.vector_store %arg11[%parallel_loop3A_164, %parallel_loop3A_165], %parallel_loop3A_168 {strides = array<i32>} : memref<125x80xf32, #tpu.memory_space<vmem>>, vector<1x16xf32>,
        %parallel_loop3A_169 = arith.constant 0 : i32
        %parallel_loop3A_170 = vector.broadcast %parallel_loop3A_169 : i32 to vector<16xi32>
        %parallel_loop3A_171 = arith.muli %iota3A, %parallel_loop3A_170 : vector<16xi32>
        %parallel_loop3A_172 = arith.constant 0 : i32
        %parallel_loop3A_173 = vector.broadcast %parallel_loop3A_172 : i32 to vector<16xi32>
        %parallel_loop3A_174 = arith.addi %parallel_loop3A_171, %parallel_loop3A_173 : vector<16xi32>
        %parallel_loop3A_175 = arith.constant 0 : i32
        %parallel_loop3A_176 = vector.broadcast %parallel_loop3A_175 : i32 to vector<16xi32>
        %parallel_loop3A_177 = arith.cmpi slt, %parallel_loop3A_174, %parallel_loop3A_176 : vector<16xi32>
        %parallel_loop3A_178 = arith.constant 16 : i32
        %parallel_loop3A_179 = vector.broadcast %parallel_loop3A_178 : i32 to vector<16xi32>
        %parallel_loop3A_180 = arith.addi %parallel_loop3A_174, %parallel_loop3A_179 : vector<16xi32>
        %parallel_loop3A_181 = arith.select %parallel_loop3A_177, %parallel_loop3A_180, %parallel_loop3A_174 : vector<16xi1>, vector<16xi32>
        %parallel_loop3A_182 = vector.shape_cast %parallel_loop3A_181 : vector<16xi32> to vector<16x1xi32>
        %parallel_loop3A_183 = vector.shape_cast %parallel_loop3A_182 : vector<16x1xi32> to vector<16xi32>
        %parallel_loop3A_184 = tpu.dynamic_gather %parallel_loop3A_85[%parallel_loop3A_183] in [0] : vector<16xf32>, vector<16xi32> -> vector<16xf32>
        %parallel_loop3A_185 = arith.index_cast %parallel_loop3A_68 : i32 to index
        %parallel_loop3A_186 = arith.constant 48 : index
        %parallel_loop3A_187 = tpu.vector_load %arg9[%parallel_loop3A_185, %parallel_loop3A_186] {strides = array<i32>} : memref<125x80xf32, #tpu.memory_space<vmem>>, vector<1x16xf32>,
        %parallel_loop3A_188 = vector.shape_cast %parallel_loop3A_187 : vector<1x16xf32> to vector<16xf32>
        %parallel_loop3A_189 = arith.mulf %parallel_loop3A_188, %parallel_loop3A_184 : vector<16xf32>
        %parallel_loop3A_190 = arith.index_cast %parallel_loop3A_68 : i32 to index
        %parallel_loop3A_191 = arith.constant 48 : index
        %parallel_loop3A_192 = tpu.vector_load %arg11[%parallel_loop3A_190, %parallel_loop3A_191] {strides = array<i32>} : memref<125x80xf32, #tpu.memory_space<vmem>>, vector<1x16xf32>,
        %parallel_loop3A_193 = vector.shape_cast %parallel_loop3A_192 : vector<1x16xf32> to vector<16xf32>
        %parallel_loop3A_194 = vector.shape_cast %parallel_loop3A_189 : vector<16xf32> to vector<1x16xf32>
        tpu.vector_store %arg11[%parallel_loop3A_190, %parallel_loop3A_191], %parallel_loop3A_194 {strides = array<i32>} : memref<125x80xf32, #tpu.memory_space<vmem>>, vector<1x16xf32>,
      } {sc.loop_unroll_factor = 1 : i64, sc.parallel_access}
      %run_scoped3A_67 = arith.constant 0 : i32
      "tpu.region"() ({
        %run_scoped3A_68 = tpu.sem_alloc : memref<!tpu.dma_semaphore, #tpu.memory_space<semaphore_mem>>
        %dma_start3A_69 = arith.constant 0 : i32
        %dma_start3A_70 = tpu.memref_slice %arg8[%run_scoped3A_67, %dma_start3A_69] : memref<1x125xi32, #tpu.memory_space<vmem>> -> memref<1x125xi32, #tpu.memory_space<vmem>>
        %dma_start3A_71 = tpu.memref_squeeze %dma_start3A_70 : memref<1x125xi32, #tpu.memory_space<vmem>> -> memref<125xi32, #tpu.memory_space<vmem>>
        %dma_start3A_72 = arith.constant 0 : i32
        %dma_start3A_73 = arith.constant 0 : i32
        %dma_start3A_74 = tpu.memref_slice %arg12[%dma_start3A_72, %dma_start3A_73] : memref<10000x80xf32, #tpu.memory_space<vmem_shared>> -> memref<10000x80xf32, #tpu.memory_space<vmem_shared>>
        tpu.enqueue_indirect_dma source(%arg11 : memref<125x80xf32, #tpu.memory_space<vmem>>) target(%dma_start3A_74 : memref<10000x80xf32, #tpu.memory_space<vmem_shared>>) offsets(%dma_start3A_71 : memref<125xi32, #tpu.memory_space<vmem>>) semaphore(%run_scoped3A_68 : memref<!tpu.dma_semaphore, #tpu.memory_space<semaphore_mem>>) {add = true}
        %dma_wait3A_75 = arith.constant 0 : i32
        %dma_wait3A_76 = tpu.memref_slice %arg8[%run_scoped3A_67, %dma_wait3A_75] : memref<1x125xi32, #tpu.memory_space<vmem>> -> memref<1x125xi32, #tpu.memory_space<vmem>>
        %dma_wait3A_77 = tpu.memref_squeeze %dma_wait3A_76 : memref<1x125xi32, #tpu.memory_space<vmem>> -> memref<125xi32, #tpu.memory_space<vmem>>
        %dma_wait3A_78 = arith.constant 0 : i32
        %dma_wait3A_79 = arith.constant 0 : i32
        %dma_wait3A_80 = tpu.memref_slice %arg12[%dma_wait3A_78, %dma_wait3A_79] : memref<10000x80xf32, #tpu.memory_space<vmem_shared>> -> memref<10000x80xf32, #tpu.memory_space<vmem_shared>>
        tpu.wait_indirect_dma semaphore(%run_scoped3A_68 : memref<!tpu.dma_semaphore, #tpu.memory_space<semaphore_mem>>) src(%arg11 : memref<125x80xf32, #tpu.memory_space<vmem>>) dst(%dma_wait3A_80 : memref<10000x80xf32, #tpu.memory_space<vmem_shared>>)
        tpu.yield
      }) : () -> ()
    }
    %scan3A_29 = arith.constant 80 : i32
    %barrier3A_30 = arith.constant 0 : index
    tpu.barrier barrier_id(%barrier3A_30)
    %mul3A_31 = arith.constant 625 : i32
    %mul3A_32 = arith.muli %arg1, %mul3A_31 : i32
    "tpu.region"() ({
      %run_scoped3A = tpu.sem_alloc : memref<!tpu.dma_semaphore, #tpu.memory_space<semaphore_mem>>
      %dma_start3A = arith.constant 0 : i32
      %dma_start3A_33 = tpu.memref_slice %arg6[%arg0, %mul3A_32, %dma_start3A] : memref<2x10000x80xf32, #tpu.memory_space<hbm>> -> memref<1x625x80xf32, #tpu.memory_space<hbm>>
      %dma_start3A_34 = tpu.memref_squeeze %dma_start3A_33 : memref<1x625x80xf32, #tpu.memory_space<hbm>> -> memref<625x80xf32, #tpu.memory_space<hbm>>
      %dma_start3A_35 = arith.constant 0 : i32
      %dma_start3A_36 = tpu.memref_slice %arg12[%mul3A_32, %dma_start3A_35] : memref<10000x80xf32, #tpu.memory_space<vmem_shared>> -> memref<625x80xf32, #tpu.memory_space<vmem_shared>>
      tpu.enqueue_dma source(%dma_start3A_36 : memref<625x80xf32, #tpu.memory_space<vmem_shared>>) target(%dma_start3A_34 : memref<625x80xf32, #tpu.memory_space<hbm>>) target_semaphore(%run_scoped3A : memref<!tpu.dma_semaphore, #tpu.memory_space<semaphore_mem>>)
      %dma_wait3A = arith.constant 0 : i32
      %dma_wait3A_37 = tpu.memref_slice %arg6[%arg0, %mul3A_32, %dma_wait3A] : memref<2x10000x80xf32, #tpu.memory_space<hbm>> -> memref<1x625x80xf32, #tpu.memory_space<hbm>>
      %dma_wait3A_38 = tpu.memref_squeeze %dma_wait3A_37 : memref<1x625x80xf32, #tpu.memory_space<hbm>> -> memref<625x80xf32, #tpu.memory_space<hbm>>
      %dma_wait3A_39 = arith.constant 0 : i32
      %dma_wait3A_40 = tpu.memref_slice %arg12[%mul3A_32, %dma_wait3A_39] : memref<10000x80xf32, #tpu.memory_space<vmem_shared>> -> memref<625x80xf32, #tpu.memory_space<vmem_shared>>
      tpu.wait_dma2 semaphore(%run_scoped3A : memref<!tpu.dma_semaphore, #tpu.memory_space<semaphore_mem>>) src(%dma_wait3A_40 : memref<625x80xf32, #tpu.memory_space<vmem_shared>>) dst(%dma_wait3A_38 : memref<625x80xf32, #tpu.memory_space<hbm>>)
      tpu.yield
    }) : () -> ()
    return
  }
}

module attributes {stable_mosaic.version = 14 : i64} {
  func.func @_pre_body(%arg0: i32, %arg1: memref<1000x128xf32, #tpu.memory_space<vmem>>, %arg2: memref<128x128xf32, #tpu.memory_space<vmem>>, %arg3: memref<128x16xf32, #tpu.memory_space<vmem>>, %arg4: memref<128x16xf32, #tpu.memory_space<vmem>>, %arg5: memref<1000x144xf32, #tpu.memory_space<vmem>>, %arg6: memref<1000x16xf32, #tpu.memory_space<vmem>>) attributes {dimension_semantics = [#tpu.dimension_semantics<arbitrary>], iteration_bounds = array<i64: 10>, scalar_prefetch = 0 : i64, scratch_operands = 0 : i64, tpu.core_type = #tpu.core_type<tc>, window_params = [{transform_indices = @transform_0, window_bounds = array<i64: 1000, 128>}, {pipeline_mode = #tpu.pipeline_mode<synchronous>, transform_indices = @transform_1, window_bounds = array<i64: 128, 128>}, {pipeline_mode = #tpu.pipeline_mode<synchronous>, transform_indices = @transform_2, window_bounds = array<i64: 128, 16>}, {pipeline_mode = #tpu.pipeline_mode<synchronous>, transform_indices = @transform_3, window_bounds = array<i64: 128, 16>}, {transform_indices = @transform_4, window_bounds = array<i64: 1000, 144>}, {transform_indices = @transform_5, window_bounds = array<i64: 1000, 16>}]} {
    %get3A = arith.constant 0 : index
    %get3A_0 = arith.constant 0 : index
    %get3A_1 = vector.load %arg1[%get3A, %get3A_0] : memref<1000x128xf32, #tpu.memory_space<vmem>>, vector<1000x128xf32>
    %get3A_2 = arith.constant 0 : index
    %get3A_3 = arith.constant 0 : index
    %get3A_4 = vector.load %arg2[%get3A_2, %get3A_3] : memref<128x128xf32, #tpu.memory_space<vmem>>, vector<128x128xf32>
    %dot_general3A = arith.constant dense<0.000000e+00> : vector<1000x128xf32>
    %dot_general3A_5 = tpu.matmul %get3A_1, %get3A_4, %dot_general3A {dimension_numbers = #tpu.dot_dimension_numbers<[1], [0], [0], [1], [0, 0, 1, 1], [], []>, transpose_lhs_hint = false} : vector<1000x128xf32>, vector<128x128xf32>, vector<1000x128xf32> -> vector<1000x128xf32>
    %swap3A = arith.constant 0 : index
    %swap3A_6 = arith.constant 0 : index
    %swap3A_7 = vector.load %arg5[%swap3A, %swap3A_6] : memref<1000x144xf32, #tpu.memory_space<vmem>>, vector<1000x128xf32>
    tpu.vector_store %arg5[%swap3A, %swap3A_6], %dot_general3A_5 {strides = array<i32>} : memref<1000x144xf32, #tpu.memory_space<vmem>>, vector<1000x128xf32>,
    %iota3A = tpu.iota {dimensions = array<i32: 1>} : vector<1000x16xi32>
    %lt3A = arith.constant 8 : i32
    %lt3A_8 = vector.broadcast %lt3A : i32 to vector<1000x16xi32>
    %lt3A_9 = arith.cmpi slt, %iota3A, %lt3A_8 : vector<1000x16xi32>
    %jit3A = arith.constant 0.000000e+00 : f32
    %jit3A_10 = arith.constant -1.000000e+30 : f32
    %broadcast_in_dim3A = vector.broadcast %jit3A : f32 to vector<1000x16xf32>
    %broadcast_in_dim3A_11 = vector.broadcast %jit3A_10 : f32 to vector<1000x16xf32>
    %select_n3A = arith.select %lt3A_9, %broadcast_in_dim3A, %broadcast_in_dim3A_11 : vector<1000x16xi1>, vector<1000x16xf32>
    %get3A_12 = arith.constant 0 : index
    %get3A_13 = arith.constant 0 : index
    %get3A_14 = vector.load %arg3[%get3A_12, %get3A_13] : memref<128x16xf32, #tpu.memory_space<vmem>>, vector<128x16xf32>
    %dot_general3A_15 = arith.constant dense<0.000000e+00> : vector<1000x16xf32>
    %dot_general3A_16 = tpu.matmul %dot_general3A_5, %get3A_14, %dot_general3A_15 {dimension_numbers = #tpu.dot_dimension_numbers<[1], [0], [0], [1], [0, 0, 1, 1], [], []>, transpose_lhs_hint = false} : vector<1000x128xf32>, vector<128x16xf32>, vector<1000x16xf32> -> vector<1000x16xf32>
    %add3A = arith.addf %dot_general3A_16, %select_n3A : vector<1000x16xf32>
    %swap3A_17 = arith.constant 0 : index
    %swap3A_18 = arith.constant 128 : index
    %swap3A_19 = vector.load %arg5[%swap3A_17, %swap3A_18] : memref<1000x144xf32, #tpu.memory_space<vmem>>, vector<1000x16xf32>
    tpu.vector_store %arg5[%swap3A_17, %swap3A_18], %add3A {strides = array<i32>} : memref<1000x144xf32, #tpu.memory_space<vmem>>, vector<1000x16xf32>,
    %get3A_20 = arith.constant 0 : index
    %get3A_21 = arith.constant 0 : index
    %get3A_22 = vector.load %arg4[%get3A_20, %get3A_21] : memref<128x16xf32, #tpu.memory_space<vmem>>, vector<128x16xf32>
    %dot_general3A_23 = arith.constant dense<0.000000e+00> : vector<1000x16xf32>
    %dot_general3A_24 = tpu.matmul %dot_general3A_5, %get3A_22, %dot_general3A_23 {dimension_numbers = #tpu.dot_dimension_numbers<[1], [0], [0], [1], [0, 0, 1, 1], [], []>, transpose_lhs_hint = false} : vector<1000x128xf32>, vector<128x16xf32>, vector<1000x16xf32> -> vector<1000x16xf32>
    %swap3A_25 = arith.constant 0 : index
    %swap3A_26 = arith.constant 0 : index
    %swap3A_27 = vector.load %arg6[%swap3A_25, %swap3A_26] : memref<1000x16xf32, #tpu.memory_space<vmem>>, vector<1000x16xf32>
    tpu.vector_store %arg6[%swap3A_25, %swap3A_26], %dot_general3A_24 {strides = array<i32>} : memref<1000x16xf32, #tpu.memory_space<vmem>>, vector<1000x16xf32>,
    return
  }
  func.func @transform_0(%arg0: i32) -> (i32, i32) {
    %c0_i32 = arith.constant 0 : i32
    %c0_i32_0 = arith.constant 0 : i32
    return %arg0, %c0_i32 : i32, i32
  }
  func.func @transform_1(%arg0: i32) -> (i32, i32) {
    %c0_i32 = arith.constant 0 : i32
    %c0_i32_0 = arith.constant 0 : i32
    %c0_i32_1 = arith.constant 0 : i32
    return %c0_i32, %c0_i32_0 : i32, i32
  }
  func.func @transform_2(%arg0: i32) -> (i32, i32) {
    %c0_i32 = arith.constant 0 : i32
    %c0_i32_0 = arith.constant 0 : i32
    %c0_i32_1 = arith.constant 0 : i32
    return %c0_i32, %c0_i32_0 : i32, i32
  }
  func.func @transform_3(%arg0: i32) -> (i32, i32) {
    %c0_i32 = arith.constant 0 : i32
    %c0_i32_0 = arith.constant 0 : i32
    %c0_i32_1 = arith.constant 0 : i32
    return %c0_i32, %c0_i32_0 : i32, i32
  }
  func.func @transform_4(%arg0: i32) -> (i32, i32) {
    %c0_i32 = arith.constant 0 : i32
    %c0_i32_0 = arith.constant 0 : i32
    return %arg0, %c0_i32 : i32, i32
  }
  func.func @transform_5(%arg0: i32) -> (i32, i32) {
    %c0_i32 = arith.constant 0 : i32
    %c0_i32_0 = arith.constant 0 : i32
    return %arg0, %c0_i32 : i32, i32
  }
}

module attributes {stable_mosaic.version = 14 : i64} {
  func.func @_mid_body(%arg0: i32, %arg1: memref<2x1000x144xf32, #tpu.memory_space<vmem>>, %arg2: memref<144x128xf32, #tpu.memory_space<vmem>>, %arg3: memref<1x128xf32, #tpu.memory_space<vmem>>, %arg4: memref<128x64xf32, #tpu.memory_space<vmem>>, %arg5: memref<128x16xf32, #tpu.memory_space<vmem>>, %arg6: memref<128x16xf32, #tpu.memory_space<vmem>>, %arg7: memref<1000x80xf32, #tpu.memory_space<vmem>>, %arg8: memref<1000x16xf32, #tpu.memory_space<vmem>>) attributes {dimension_semantics = [#tpu.dimension_semantics<arbitrary>], iteration_bounds = array<i64: 10>, scalar_prefetch = 0 : i64, scratch_operands = 0 : i64, tpu.core_type = #tpu.core_type<tc>, window_params = [{transform_indices = @transform_0, window_bounds = array<i64: 2, 1000, 144>}, {pipeline_mode = #tpu.pipeline_mode<synchronous>, transform_indices = @transform_1, window_bounds = array<i64: 144, 128>}, {pipeline_mode = #tpu.pipeline_mode<synchronous>, transform_indices = @transform_2, window_bounds = array<i64: 1, 128>}, {pipeline_mode = #tpu.pipeline_mode<synchronous>, transform_indices = @transform_3, window_bounds = array<i64: 128, 64>}, {pipeline_mode = #tpu.pipeline_mode<synchronous>, transform_indices = @transform_4, window_bounds = array<i64: 128, 16>}, {pipeline_mode = #tpu.pipeline_mode<synchronous>, transform_indices = @transform_5, window_bounds = array<i64: 128, 16>}, {transform_indices = @transform_6, window_bounds = array<i64: 1000, 80>}, {transform_indices = @transform_7, window_bounds = array<i64: 1000, 16>}]} {
    %get3A = arith.constant 0 : index
    %get3A_0 = arith.constant 0 : index
    %get3A_1 = arith.constant 0 : index
    %get3A_2 = vector.load %arg1[%get3A, %get3A_0, %get3A_1] : memref<2x1000x144xf32, #tpu.memory_space<vmem>>, vector<1x1000x144xf32>
    %get3A_3 = vector.shape_cast %get3A_2 : vector<1x1000x144xf32> to vector<1000x144xf32>
    %get3A_4 = arith.constant 1 : index
    %get3A_5 = arith.constant 0 : index
    %get3A_6 = arith.constant 0 : index
    %get3A_7 = vector.load %arg1[%get3A_4, %get3A_5, %get3A_6] : memref<2x1000x144xf32, #tpu.memory_space<vmem>>, vector<1x1000x144xf32>
    %get3A_8 = vector.shape_cast %get3A_7 : vector<1x1000x144xf32> to vector<1000x144xf32>
    %add3A = arith.addf %get3A_3, %get3A_8 : vector<1000x144xf32>
    %get3A_9 = arith.constant 0 : index
    %get3A_10 = arith.constant 0 : index
    %get3A_11 = vector.load %arg2[%get3A_9, %get3A_10] : memref<144x128xf32, #tpu.memory_space<vmem>>, vector<144x128xf32>
    %dot_general3A = arith.constant dense<0.000000e+00> : vector<1000x128xf32>
    %dot_general3A_12 = tpu.matmul %add3A, %get3A_11, %dot_general3A {dimension_numbers = #tpu.dot_dimension_numbers<[1], [0], [0], [1], [0, 0, 1, 1], [], []>, transpose_lhs_hint = false} : vector<1000x144xf32>, vector<144x128xf32>, vector<1000x128xf32> -> vector<1000x128xf32>
    %slice3A = vector.extract_strided_slice %add3A {offsets = [0, 0], sizes = [1000, 128], strides = [1, 1]} : vector<1000x144xf32> to vector<1000x128xf32>
    %add3A_13 = arith.constant 1.000000e-16 : f32
    %add3A_14 = vector.broadcast %add3A_13 : f32 to vector<1000x128xf32>
    %add3A_15 = arith.addf %dot_general3A_12, %add3A_14 : vector<1000x128xf32>
    %div3A = arith.divf %slice3A, %add3A_15 : vector<1000x128xf32>
    %get3A_16 = arith.constant 0 : index
    %get3A_17 = arith.constant 0 : index
    %get3A_18 = vector.load %arg3[%get3A_16, %get3A_17] : memref<1x128xf32, #tpu.memory_space<vmem>>, vector<1x128xf32>
    %add3A_19 = vector.broadcast %get3A_18 : vector<1x128xf32> to vector<1000x128xf32>
    %add3A_20 = arith.addf %div3A, %add3A_19 : vector<1000x128xf32>
    %gt3A = arith.constant 0.000000e+00 : f32
    %gt3A_21 = vector.broadcast %gt3A : f32 to vector<1000x128xf32>
    %gt3A_22 = arith.cmpf ogt, %add3A_20, %gt3A_21 : vector<1000x128xf32>
    %min3A = arith.constant 0.000000e+00 : f32
    %min3A_23 = vector.broadcast %min3A : f32 to vector<1000x128xf32>
    %min3A_24 = arith.minimumf %add3A_20, %min3A_23 : vector<1000x128xf32>
    %exp3A = math.exp %min3A_24 : vector<1000x128xf32>
    %sub3A = arith.constant 1.000000e+00 : f32
    %sub3A_25 = vector.broadcast %sub3A : f32 to vector<1000x128xf32>
    %sub3A_26 = arith.subf %exp3A, %sub3A_25 : vector<1000x128xf32>
    %select_n3A = arith.select %gt3A_22, %add3A_20, %sub3A_26 : vector<1000x128xi1>, vector<1000x128xf32>
    %get3A_27 = arith.constant 0 : index
    %get3A_28 = arith.constant 0 : index
    %get3A_29 = vector.load %arg4[%get3A_27, %get3A_28] : memref<128x64xf32, #tpu.memory_space<vmem>>, vector<128x64xf32>
    %dot_general3A_30 = arith.constant dense<0.000000e+00> : vector<1000x64xf32>
    %dot_general3A_31 = tpu.matmul %select_n3A, %get3A_29, %dot_general3A_30 {dimension_numbers = #tpu.dot_dimension_numbers<[1], [0], [0], [1], [0, 0, 1, 1], [], []>, transpose_lhs_hint = false} : vector<1000x128xf32>, vector<128x64xf32>, vector<1000x64xf32> -> vector<1000x64xf32>
    %swap3A = arith.constant 0 : index
    %swap3A_32 = arith.constant 0 : index
    %swap3A_33 = vector.load %arg7[%swap3A, %swap3A_32] : memref<1000x80xf32, #tpu.memory_space<vmem>>, vector<1000x64xf32>
    tpu.vector_store %arg7[%swap3A, %swap3A_32], %dot_general3A_31 {strides = array<i32>} : memref<1000x80xf32, #tpu.memory_space<vmem>>, vector<1000x64xf32>,
    %iota3A = tpu.iota {dimensions = array<i32: 1>} : vector<1000x16xi32>
    %lt3A = arith.constant 1 : i32
    %lt3A_34 = vector.broadcast %lt3A : i32 to vector<1000x16xi32>
    %lt3A_35 = arith.cmpi slt, %iota3A, %lt3A_34 : vector<1000x16xi32>
    %jit3A = arith.constant 0.000000e+00 : f32
    %jit3A_36 = arith.constant -1.000000e+30 : f32
    %broadcast_in_dim3A = vector.broadcast %jit3A : f32 to vector<1000x16xf32>
    %broadcast_in_dim3A_37 = vector.broadcast %jit3A_36 : f32 to vector<1000x16xf32>
    %select_n3A_38 = arith.select %lt3A_35, %broadcast_in_dim3A, %broadcast_in_dim3A_37 : vector<1000x16xi1>, vector<1000x16xf32>
    %get3A_39 = arith.constant 0 : index
    %get3A_40 = arith.constant 0 : index
    %get3A_41 = vector.load %arg5[%get3A_39, %get3A_40] : memref<128x16xf32, #tpu.memory_space<vmem>>, vector<128x16xf32>
    %dot_general3A_42 = arith.constant dense<0.000000e+00> : vector<1000x16xf32>
    %dot_general3A_43 = tpu.matmul %select_n3A, %get3A_41, %dot_general3A_42 {dimension_numbers = #tpu.dot_dimension_numbers<[1], [0], [0], [1], [0, 0, 1, 1], [], []>, transpose_lhs_hint = false} : vector<1000x128xf32>, vector<128x16xf32>, vector<1000x16xf32> -> vector<1000x16xf32>
    %add3A_44 = arith.addf %dot_general3A_43, %select_n3A_38 : vector<1000x16xf32>
    %swap3A_45 = arith.constant 0 : index
    %swap3A_46 = arith.constant 64 : index
    %swap3A_47 = vector.load %arg7[%swap3A_45, %swap3A_46] : memref<1000x80xf32, #tpu.memory_space<vmem>>, vector<1000x16xf32>
    tpu.vector_store %arg7[%swap3A_45, %swap3A_46], %add3A_44 {strides = array<i32>} : memref<1000x80xf32, #tpu.memory_space<vmem>>, vector<1000x16xf32>,
    %get3A_48 = arith.constant 0 : index
    %get3A_49 = arith.constant 0 : index
    %get3A_50 = vector.load %arg6[%get3A_48, %get3A_49] : memref<128x16xf32, #tpu.memory_space<vmem>>, vector<128x16xf32>
    %dot_general3A_51 = arith.constant dense<0.000000e+00> : vector<1000x16xf32>
    %dot_general3A_52 = tpu.matmul %select_n3A, %get3A_50, %dot_general3A_51 {dimension_numbers = #tpu.dot_dimension_numbers<[1], [0], [0], [1], [0, 0, 1, 1], [], []>, transpose_lhs_hint = false} : vector<1000x128xf32>, vector<128x16xf32>, vector<1000x16xf32> -> vector<1000x16xf32>
    %swap3A_53 = arith.constant 0 : index
    %swap3A_54 = arith.constant 0 : index
    %swap3A_55 = vector.load %arg8[%swap3A_53, %swap3A_54] : memref<1000x16xf32, #tpu.memory_space<vmem>>, vector<1000x16xf32>
    tpu.vector_store %arg8[%swap3A_53, %swap3A_54], %dot_general3A_52 {strides = array<i32>} : memref<1000x16xf32, #tpu.memory_space<vmem>>, vector<1000x16xf32>,
    return
  }
  func.func @transform_0(%arg0: i32) -> (i32, i32, i32) {
    %c0_i32 = arith.constant 0 : i32
    %c0_i32_0 = arith.constant 0 : i32
    %c0_i32_1 = arith.constant 0 : i32
    return %c0_i32, %arg0, %c0_i32_0 : i32, i32, i32
  }
  func.func @transform_1(%arg0: i32) -> (i32, i32) {
    %c0_i32 = arith.constant 0 : i32
    %c0_i32_0 = arith.constant 0 : i32
    %c0_i32_1 = arith.constant 0 : i32
    return %c0_i32, %c0_i32_0 : i32, i32
  }
  func.func @transform_2(%arg0: i32) -> (i32, i32) {
    %c0_i32 = arith.constant 0 : i32
    %c0_i32_0 = arith.constant 0 : i32
    %c0_i32_1 = arith.constant 0 : i32
    return %c0_i32, %c0_i32_0 : i32, i32
  }
  func.func @transform_3(%arg0: i32) -> (i32, i32) {
    %c0_i32 = arith.constant 0 : i32
    %c0_i32_0 = arith.constant 0 : i32
    %c0_i32_1 = arith.constant 0 : i32
    return %c0_i32, %c0_i32_0 : i32, i32
  }
  func.func @transform_4(%arg0: i32) -> (i32, i32) {
    %c0_i32 = arith.constant 0 : i32
    %c0_i32_0 = arith.constant 0 : i32
    %c0_i32_1 = arith.constant 0 : i32
    return %c0_i32, %c0_i32_0 : i32, i32
  }
  func.func @transform_5(%arg0: i32) -> (i32, i32) {
    %c0_i32 = arith.constant 0 : i32
    %c0_i32_0 = arith.constant 0 : i32
    %c0_i32_1 = arith.constant 0 : i32
    return %c0_i32, %c0_i32_0 : i32, i32
  }
  func.func @transform_6(%arg0: i32) -> (i32, i32) {
    %c0_i32 = arith.constant 0 : i32
    %c0_i32_0 = arith.constant 0 : i32
    return %arg0, %c0_i32 : i32, i32
  }
  func.func @transform_7(%arg0: i32) -> (i32, i32) {
    %c0_i32 = arith.constant 0 : i32
    %c0_i32_0 = arith.constant 0 : i32
    return %arg0, %c0_i32 : i32, i32
  }
}

module attributes {stable_mosaic.version = 14 : i64} {
  func.func @_post_body(%arg0: i32, %arg1: memref<2x1000x80xf32, #tpu.memory_space<vmem>>, %arg2: memref<80x64xf32, #tpu.memory_space<vmem>>, %arg3: memref<1x64xf32, #tpu.memory_space<vmem>>, %arg4: memref<1000x64xf32, #tpu.memory_space<vmem>>) attributes {dimension_semantics = [#tpu.dimension_semantics<arbitrary>], iteration_bounds = array<i64: 10>, scalar_prefetch = 0 : i64, scratch_operands = 0 : i64, tpu.core_type = #tpu.core_type<tc>, window_params = [{transform_indices = @transform_0, window_bounds = array<i64: 2, 1000, 80>}, {pipeline_mode = #tpu.pipeline_mode<synchronous>, transform_indices = @transform_1, window_bounds = array<i64: 80, 64>}, {pipeline_mode = #tpu.pipeline_mode<synchronous>, transform_indices = @transform_2, window_bounds = array<i64: 1, 64>}, {transform_indices = @transform_3, window_bounds = array<i64: 1000, 64>}]} {
    %get3A = arith.constant 0 : index
    %get3A_0 = arith.constant 0 : index
    %get3A_1 = arith.constant 0 : index
    %get3A_2 = vector.load %arg1[%get3A, %get3A_0, %get3A_1] : memref<2x1000x80xf32, #tpu.memory_space<vmem>>, vector<1x1000x80xf32>
    %get3A_3 = vector.shape_cast %get3A_2 : vector<1x1000x80xf32> to vector<1000x80xf32>
    %get3A_4 = arith.constant 1 : index
    %get3A_5 = arith.constant 0 : index
    %get3A_6 = arith.constant 0 : index
    %get3A_7 = vector.load %arg1[%get3A_4, %get3A_5, %get3A_6] : memref<2x1000x80xf32, #tpu.memory_space<vmem>>, vector<1x1000x80xf32>
    %get3A_8 = vector.shape_cast %get3A_7 : vector<1x1000x80xf32> to vector<1000x80xf32>
    %add3A = arith.addf %get3A_3, %get3A_8 : vector<1000x80xf32>
    %get3A_9 = arith.constant 0 : index
    %get3A_10 = arith.constant 0 : index
    %get3A_11 = vector.load %arg2[%get3A_9, %get3A_10] : memref<80x64xf32, #tpu.memory_space<vmem>>, vector<80x64xf32>
    %dot_general3A = arith.constant dense<0.000000e+00> : vector<1000x64xf32>
    %dot_general3A_12 = tpu.matmul %add3A, %get3A_11, %dot_general3A {dimension_numbers = #tpu.dot_dimension_numbers<[1], [0], [0], [1], [0, 0, 1, 1], [], []>, transpose_lhs_hint = false} : vector<1000x80xf32>, vector<80x64xf32>, vector<1000x64xf32> -> vector<1000x64xf32>
    %slice3A = vector.extract_strided_slice %add3A {offsets = [0, 0], sizes = [1000, 64], strides = [1, 1]} : vector<1000x80xf32> to vector<1000x64xf32>
    %add3A_13 = arith.constant 1.000000e-16 : f32
    %add3A_14 = vector.broadcast %add3A_13 : f32 to vector<1000x64xf32>
    %add3A_15 = arith.addf %dot_general3A_12, %add3A_14 : vector<1000x64xf32>
    %div3A = arith.divf %slice3A, %add3A_15 : vector<1000x64xf32>
    %get3A_16 = arith.constant 0 : index
    %get3A_17 = arith.constant 0 : index
    %get3A_18 = vector.load %arg3[%get3A_16, %get3A_17] : memref<1x64xf32, #tpu.memory_space<vmem>>, vector<1x64xf32>
    %add3A_19 = vector.broadcast %get3A_18 : vector<1x64xf32> to vector<1000x64xf32>
    %add3A_20 = arith.addf %div3A, %add3A_19 : vector<1000x64xf32>
    %swap3A = arith.constant 0 : index
    %swap3A_21 = arith.constant 0 : index
    %swap3A_22 = vector.load %arg4[%swap3A, %swap3A_21] : memref<1000x64xf32, #tpu.memory_space<vmem>>, vector<1000x64xf32>
    tpu.vector_store %arg4[%swap3A, %swap3A_21], %add3A_20 {strides = array<i32>} : memref<1000x64xf32, #tpu.memory_space<vmem>>, vector<1000x64xf32>,
    return
  }
  func.func @transform_0(%arg0: i32) -> (i32, i32, i32) {
    %c0_i32 = arith.constant 0 : i32
    %c0_i32_0 = arith.constant 0 : i32
    %c0_i32_1 = arith.constant 0 : i32
    return %c0_i32, %arg0, %c0_i32_0 : i32, i32, i32
  }
  func.func @transform_1(%arg0: i32) -> (i32, i32) {
    %c0_i32 = arith.constant 0 : i32
    %c0_i32_0 = arith.constant 0 : i32
    %c0_i32_1 = arith.constant 0 : i32
    return %c0_i32, %c0_i32_0 : i32, i32
  }
  func.func @transform_2(%arg0: i32) -> (i32, i32) {
    %c0_i32 = arith.constant 0 : i32
    %c0_i32_0 = arith.constant 0 : i32
    %c0_i32_1 = arith.constant 0 : i32
    return %c0_i32, %c0_i32_0 : i32, i32
  }
  func.func @transform_3(%arg0: i32) -> (i32, i32) {
    %c0_i32 = arith.constant 0 : i32
    %c0_i32_0 = arith.constant 0 : i32
    return %arg0, %c0_i32 : i32, i32
  }
}

</mosaic_0001>

<sc_bundles>
// kernel: kernel.10.cloned.1.call-start
scs
__scs_entry_jumppad:
0x0: {  	(pc) =	sbr.rel $0x88, $3  }
0x1: {  	(tag) =	ssettag $0x0;
	lr =	simm.s32 $0x1  }
0x2: {  	[smem:$0x3F97] =	sst lr;
	_ =	strace $0xD0000000  }
0x3: {  	_ = 	snop  }
0x4: {  	_ = 	snop  }
0x5: {  	_ = 	snop  }
0x6: {  	_ = 	snop  }
0x7: {  	_ = 	snop  }
__scs_overlays_trampoline_lowered:
0x8: {  	[smem:$0x3FA6] =	sst s0  }
0x9: {  	[smem:$0x3FA7] =	sst s1  }
0xa: {  	[smem:$0x3FA8] =	sst s2  }
0xb: {  	[smem:$0x3FA9] =	sst s3  }
0xc: {  	[smem:$0x3FAA] =	sst s4  }
0xd: {  	[smem:$0x3FAB] =	sst s5  }
0xe: {  	[smem:$0x3FAC] =	sst s6  }
0xf: {  	[smem:$0x3FAD] =	sst s7  }
0x10: {  	[smem:$0x3FAE] =	sst s8  }
0x11: {  	[smem:$0x3FAF] =	sst s9;
	s0 =	simm.s32 @!p0 $0x0  }
0x12: {  	s1 =	sld [smem:$0x3F95];
	s0 =	simm.s32 @p0 $0x1  }
0x13: {  	[smem:$0x3FB0] =	sst s0;
	s0 =	simm.s32 @!p1 $0x0  }
0x14: {  	s2 =	sld [smem:$0x3F94];
	s0 =	simm.s32 @p1 $0x1  }
0x15: {  	[smem:$0x3FB1] =	sst s0;
	s0 =	simm.s32 @!p2 $0x0  }
0x16: {  	s3 =	sld [smem:$0x3FDB];
	s0 =	simm.s32 @p2 $0x1  }
0x17: {  	s4 =	simm.s32 $0x1BF5;
	[smem:$0x3FB3] =	sst s0  }
0x18: {  	s0 =	sld [smem:$0x3F96];
	_ =	swait.ge [sflag:s4], $0x0  }
0x19: {  	s7 =	sld [smem:$0x3F97]  }
0x1a: {  	s8 =	sadd.s32 $0xFFFFE003, lr  }
0x1b: {  	s9 =	sadd.s32 $0xFFFFFEF7, lr;
	s5 =	simm.s32 $0xFFFFFFFF;
	p2 =	slt.u32 s8, $0xFFFFF086  }
0x1c: {  	p1 =	slt.u32 s9, $0xF7A;
	s5 =	simm.s32 @!p2 $0x0  }
0x1d: {  	s5 =	simm.s32 @p1 $0x1;
	p0 =	seq.s32 s7, s2  }
0x1e: {  	s7 =	smul.u32 @!p0 $0xF7A, s2;
	p2 =	seq.s32 @!p0 s5, $0x0  }
0x1f: {  	s9 =	smul.u32 $0xF7A, s1;
	s8 =	simm.s32 @!p0 $0x1BF5;
	p2 =	por !p2, p0  }
0x20: {  	[sflag:s8] =	ssyncset.s32 @!p0 $0xFFFFF086;
	s6 =	sadd.s32 @!p0 s3, s7;
	s7 =	simm.s32 @!p0 $0x108  }
0x21: {  	s3 =	sadd.s32 s3, s9;
	s6 =	sadd.s32 @!p0 $0x88, s6;
	s7 =	simm.s32 @p2 $0x1082  }
0x22: {  	[simem:s7], [sflag:s8] =	dma.local @!p0 [hbm:s6], $0xF7A  }
0x23: {  	s9 =	sor.u32 $0xD0000000, s2;
	s6 =	simm.s32 $0x108;
	_ =	swait.ge @!p0 [sflag:s8], $0x0  }
0x24: {  	s3 =	sadd.s32 $0x88, s3;
	s6 =	simm.s32 @!p1 $0x1082;
	[sflag:s4] =	ssyncset.s32 $0xFFFFF086  }
0x25: {  	[simem:s6], [sflag:s4] =	dma.local [hbm:s3], $0xF7A  }
0x26: {  	[smem:$0x3F97] =	sst s1;
	(tag) =	ssettag s2;
	_ =	strace s9  }
0x27: {  	s1 =	sld [smem:$0x3FA7]  }
0x28: {  	s2 =	sld [smem:$0x3FA8]  }
0x29: {  	s4 =	sld [smem:$0x3FAA]  }
0x2a: {  	p0 =	seq.s32 s5, $0x0;
	s5 =	sld [smem:$0x3FAB]  }
0x2b: {  	s6 =	sld [smem:$0x3FAC]  }
0x2c: {  	s7 =	sld [smem:$0x3FAD]  }
0x2d: {  	s3 =	simm.s32 $0x108;
	s8 =	sld [smem:$0x3FAE]  }
0x2e: {  	s3 =	simm.s32 @!p0 $0x1082;
	s9 =	sld [smem:$0x3FAF]  }
0x2f: {  	lr =	sadd.s32 s0, s3;
	s0 =	sld [smem:$0x3FA6]  }
0x30: {  	s3 =	sld [smem:$0x3FA9]  }
0x31: {  	[smem:$0x3FB2] =	sst s10  }
0x32: {  	s10 =	sld [smem:$0x3FB0];
	_ =	sdelay $0x3  }
0x33: {  	p0 =	seq.s32 s10, $0x1;
	s10 =	sld [smem:$0x3FB2];
	_ =	sdelay $0x3  }
0x34: {  	[smem:$0x3FB2] =	sst s10  }
0x35: {  	s10 =	sld [smem:$0x3FB1];
	_ =	sdelay $0x3  }
0x36: {  	p1 =	seq.s32 s10, $0x1;
	s10 =	sld [smem:$0x3FB2];
	_ =	sdelay $0x3  }
0x37: {  	[smem:$0x3FB2] =	sst s10  }
0x38: {  	s10 =	sld [smem:$0x3FB3]  }
0x39: {  	_ = 	snop;
	(pc) =	sbr.ind lr, $3  }
0x3a: {  	_ = 	snop  }
0x3b: {  	_ = 	snop  }
0x3c: {  	p2 =	seq.s32 s10, $0x1;
	s10 =	sld [smem:$0x3FB2]  }
0x3d: {  	_ =	shalt  }
0x3e: {  	_ =	shalt  }
0x3f: {  	_ =	shalt  }
0x40: {  	_ =	shalt  }
0x41: {  	_ =	shalt  }
0x42: {  	_ =	shalt  }
0x43: {  	_ =	shalt  }
0x44: {  	_ =	shalt  }
0x45: {  	_ =	shalt  }
0x46: {  	_ =	shalt  }
0x47: {  	_ =	shalt  }
0x48: {  	_ =	shalt  }
0x49: {  	_ =	shalt  }
0x4a: {  	_ =	shalt  }
0x4b: {  	_ =	shalt  }
0x4c: {  	_ =	shalt  }
0x4d: {  	_ =	shalt  }
0x4e: {  	_ =	shalt  }
0x4f: {  	_ =	shalt  }
0x50: {  	_ =	shalt  }
0x51: {  	_ =	shalt  }
0x52: {  	_ =	shalt  }
0x53: {  	_ =	shalt  }
0x54: {  	_ =	shalt  }
0x55: {  	_ =	shalt  }
0x56: {  	_ =	shalt  }
0x57: {  	_ =	shalt  }
0x58: {  	_ =	shalt  }
0x59: {  	_ =	shalt  }
0x5a: {  	_ =	shalt  }
0x5b: {  	_ =	shalt  }
0x5c: {  	_ =	shalt  }
0x5d: {  	_ =	shalt  }
0x5e: {  	_ =	shalt  }
0x5f: {  	_ =	shalt  }
0x60: {  	_ =	shalt  }
0x61: {  	_ =	shalt  }
0x62: {  	_ =	shalt  }
0x63: {  	_ =	shalt  }
0x64: {  	_ =	shalt  }
0x65: {  	_ =	shalt  }
0x66: {  	_ =	shalt  }
0x67: {  	_ =	shalt  }
0x68: {  	_ =	shalt  }
0x69: {  	_ =	shalt  }
0x6a: {  	_ =	shalt  }
0x6b: {  	_ =	shalt  }
0x6c: {  	_ =	shalt  }
0x6d: {  	_ =	shalt  }
0x6e: {  	_ =	shalt  }
0x6f: {  	_ =	shalt  }
0x70: {  	_ =	shalt  }
0x71: {  	_ =	shalt  }
0x72: {  	_ =	shalt  }
0x73: {  	_ =	shalt  }
0x74: {  	_ =	shalt  }
0x75: {  	_ =	shalt  }
0x76: {  	_ =	shalt  }
0x77: {  	_ =	shalt  }
0x78: {  	_ =	shalt  }
0x79: {  	_ =	shalt  }
0x7a: {  	_ =	shalt  }
0x7b: {  	_ =	shalt  }
0x7c: {  	_ =	shalt  }
0x7d: {  	_ =	shalt  }
0x7e: {  	_ =	shalt  }
0x7f: {  	_ =	shalt  }
0x80: {  	_ =	shalt  }
0x81: {  	_ =	shalt  }
0x82: {  	_ =	shalt  }
0x83: {  	_ =	shalt  }
0x84: {  	_ =	shalt  }
0x85: {  	_ =	shalt  }
0x86: {  	_ =	shalt  }
0x87: {  	_ =	shalt  }
.Lfunc_end0:
.L_simem_size_0:
called_computation.1_lowered:
.L_overlay_start_0:
0x88: {  	s2 =	sld [smem:$0x3FD9]  }
0x89: {  	s3 =	sld [smem:$0x3FFE];
	_ =	sdelay $0x1  }
0x8a: {  	s1 =	srdreg.scid  }
0x8b: {  	s0 =	sand.u32 $0x1, s1  }
0x8c: {  	s17 =	sshll.u32 s0, $0xA;
	s2 =	sadd.s32 s3, s2  }
0x8d: {  	s2 =	sadd.s32 s2, s17  }
0x8e: {  	[smem:$0x3FBE] =	sst s2  }
0x8f: {  	_ = 	snop  }
0x90: {  	s2 =	sld [smem:$0x3FD0];
	(tm) =	ssettm $0x1  }
0x91: {  	s18 =	sld [smem:$0x3FFB];
	_ =	sdelay $0x3  }
0x92: {  	_ =	strace s18  }
0x93: {  	s3 =	sld [smem:$0x3FFC];
	_ =	sdelay $0x3  }
0x94: {  	_ =	strace s3  }
0x95: {  	s3 =	sld [smem:$0x3FFD];
	_ =	sdelay $0x3  }
0x96: {  	_ =	strace s3  }
0x97: {  	_ =	strace $0x8FFFFFFF  }
0x98: {  	s19 =	sld [smem:$0x3FDB];
	_ =	sdelay $0x1  }
0x99: {  	s4 =	simm.s32 $_scs_section_size  }
0x9a: {  	s5 =	simm.s32 $_size__tile_overlayer_lowered;
	s6 =	simm.s32 $_tile_overlayer_lowered  }
0x9b: {  	s22 =	simm.s32 $0x1BFF;
	s21 =	sshll.u32 s6, $0x1;
	s3 =	sadd.s32 s4, s19  }
0x9c: {  	s7 =	simm.s32 $0x0;
	s20 =	sshll.u32 s5, $0x1;
	s5 =	sadd.s32 s21, s3  }
0x9d: {  	[timem:s7], [sflag:s22] =	dma.local [hbm:s5], s20  }
0x9e: {  	_ =	swait.ge [sflag:s22], s20  }
0x9f: {  	s4 =	ssub.s32 $0x0, s20;
	[sflag:s22] =	ssyncset.done $0x0  }
0xa0: {  	[sflag:s22] =	ssyncadd.s32 s4;
	_ =	sdelay $0x1  }
0xa1: {  	s23 =	simm.s32 $0x1B8B  }
0xa2: {  	_ =	swait.ge [sflag:s23], $0x1  }
0xa3: {  	[sflag:s23] =	ssyncset.done $0x0  }
0xa4: {  	s25 =	simm.s32 $0x1B8E;
	s24 =	sld [smem:$0x3FFE];
	[sflag:s23] =	ssyncadd.s32 $0xFFFFFFFF  }
0xa5: {  	s26 =	simm.s32 $execute0_lowered;
	[smem:$0x3FD2] =	sst s25  }
0xa6: {  	s5 =	sshll.u32 s26, $0x1;
	_ =	strace $0x80000049;
	[dreg:$0x1] =	wrdreg $0xFFFFFFFF  }
0xa7: {  	s28 =	simm.s32 $_size_execute0_lowered;
	s3 =	sadd.s32 s3, s5;
	[dreg:$0x0] =	wrdreg $0x0  }
0xa8: {  	s5 =	sshll.u32 s28, $0x1;
	[dreg:$0x2] =	wrdreg s3  }
0xa9: {  	[dreg:$0x3] =	wrdreg s5  }
0xaa: {  	[dreg:$0x4] =	wrdreg $0xC0  }
0xab: {  	_ =	task [dreg:s7], $0x5FFFF  }
0xac: {  	[dreg:$0x1] =	wrdreg $0xFFFFFFFF  }
0xad: {  	[dreg:$0x0] =	wrdreg $0x60  }
0xae: {  	[dreg:$0x2] =	wrdreg s2  }
0xaf: {  	[dreg:$0x3] =	wrdreg s24  }
0xb0: {  	[dreg:$0x4] =	wrdreg $0x56F00  }
0xb1: {  	[dreg:$0x5] =	wrdreg $0x9  }
0xb2: {  	_ =	task.clear_ibuf [dreg:s7], $0x6FFFF;
	_ =	strace $0x90000049  }
0xb3: {  	s29 =	simm.s32 $0x9;
	_ =	strace $0x8000004B  }
0xb4: {  	_ =	swait.ge [sflag:s29], $0x1  }
0xb5: {  	[sflag:s29] =	ssyncadd.s32 $0xFFFFFFFF  }
0xb6: {  	_ =	strace $0x9000004B  }
0xb7: {  	_ =	sfence  }
0xb8: {  	s30 =	sld [smem:$0x0];
	_ =	sdelay $0x2  }
0xb9: {  	s31 =	sshll.u32 s1, $0xD;
	s1 =	sshrl.u32 s1, $0x2  }
0xba: {  	s3 =	sand.u32 $0x4000, s31;
	s1 =	sadd.s32 s1, s30  }
0xbb: {  	s0 =	sor.u32 s3, s0;
	s1 =	sshll.u32 s1, $0x11  }
0xbc: {  	s0 =	sor.u32 s1, s0  }
0xbd: {  	s0 =	sadd.s32 $0x8F2B, s0  }
0xbe: {  	[sflag:s0] =	ssyncadd.remote.s32 $0x1  }
0xbf: {  	_ =	sfence.sel $0xFFFF  }
0xc0: {  	[dreg:$0x0] =	wrdreg $0xFFFFFFFF;
	(pc) =	sbr.abs _section_cstart, $3  }
0xc1: {  	[dreg:$0x1] =	wrdreg $0xFFFFFFFF  }
0xc2: {  	_ =	task.clear_ibuf [dreg:s7], $0x2FFFF;
	_ =	strace $0x9FFFFFFF  }
0xc3: {  	(tm) =	ssettm $0x7FFFFFFF  }
tec
execute0_lowered:
.L_overlay_start_1:
0x0: {  	(tag) =	ssettag $0x1  }
0x1: {  	s1 =	rddreg [dreg:$0x0]  }
0x2: {  	s2 =	rddreg [dreg:$0x1]  }
0x3: {  	s4 =	srdreg.scid;
	s0 =	stileid.u32  }
0x4: {  	s3 =	rddreg [dreg:$0x2];
	s16 =	simm.s32 $0x2FE0;
	s17 =	simm.s32 $0x3  }
0x5: {  	s18 =	simm.s32 $0x80;
	s19 =	simm.s32 $0x7D;
	s20 =	simm.s32 $0x100  }
0x6: {  	s21 =	simm.s32 $0x1;
	s22 =	simm.s32 $0x2;
	s9 =	smul.u32 $0xC350, s0  }
0x7: {  	s8 =	sand.u32 $0x1, s4;
	s4 =	simm.s32 $0x0;
	s11 =	smul.u32 $0x30D40, s0  }
0x8: {  	s5 =	sadd.s32 $0x31600, s2;
	s6 =	smul.u32 $0xC3500, s8;
	[smem:$0x7FF] =	sst s4  }
0x9: {  	s30 =	ssub.s32 $0x2, s8;
	s8 =	sshll.u32 s8, $0x4;
	_ =	strace $0x8000004A  }
0xa: {  	s12 =	sshrl.u32 s30, $0x1;
	s11 =	sshrl.u32 s11, $0x2;
	s13 =	sor.u32 s0, s8  }
0xb: {  	s8 =	sadd.s32 s9, s3;
	s7 =	sadd.s32 s9, s6;
	s6 =	sadd.s32 $0x600, s2  }
0xc: {  	s15 =	ssub.s32 s30, s12;
	s31 =	sadd.s32 s11, s3;
	s13 =	smul.u32 $0x2800, s13  }
0xd: {  	s10 =	sshrl.u32 s7, $0x3;
	s7 =	sadd.s32 $0x18E00, s2;
	s9 =	sadd.s32 $0x2710, s31  }
0xe: {  	s11 =	sadd.s32 $0x7530, s31;
	s12 =	sadd.s32 $0x9C40, s31;
	s2 =	sadd.s32 s10, s2  }
0xf: {  	v0 =	vimm.f32 $0.0e+00;
	v1 =	vimm.s32 $0x0;
	s15 =	smax.u32 s15, $0x1;
	s10 =	sadd.s32 $0x4E20, s31;
	s14 =	sadd.s32 $0x3B600, s2  }
.LBB2_1:
0x10: {  	s23 =	simm.s32 $0x140;
	s2 =	simm.s32 $0x0  }
.LBB2_2:
0x11: {  	p0 =	sne.s32 s23, $0x9B00;
	[tilespmem:s2+$0x3020] =	vst v0;
	s24 =	smov.u32 s23;
	s23 =	sadd.s32 $0x140, s23  }
.Ltmp0:
0x12: {  	[tilespmem:s2+$0x3010] =	vst v0;
	(pc) =	sbr.rel @p0 .LBB2_2-.Ltmp0, $4  }
0x13: {  	[tilespmem:s2+$0x3000] =	vst v0  }
0x14: {  	[tilespmem:s2+$0x2FE0] =	vst v0  }
0x15: {  	[tilespmem:s2+$0x2FF0] =	vst v0  }
0x16: {  	s2 =	sshra.s32 s24, $0x2  }
0x17: {  	[tilespmem:s2+$0x3020] =	vst v0  }
0x18: {  	[tilespmem:s2+$0x3010] =	vst v0  }
0x19: {  	[tilespmem:s2+$0x3000] =	vst v0  }
0x1a: {  	[tilespmem:s2+$0x2FE0] =	vst v0  }
0x1b: {  	[tilespmem:s2+$0x2FF0] =	vst v0  }
0x1c: {  	[spmem:s8] =	stream.linear.scatter [tilespmem:s16], [sflag:$0x3], $0x2710, $0x38;
	[tilespmem:$0x11A40] =	vst v63  }
0x1d: {  	_ =	swait.ge [sflag:s17], $0x2710  }
0x1e: {  	[sflag:s17] =	ssyncset.done $0x0  }
0x1f: {  	[sflag:s17] =	ssyncadd.s32 $0xFFFFD8F0  }
0x20: {  	[spmem:s9] =	stream.linear.scatter [tilespmem:s16], [sflag:$0x3], $0x2710, $0x38;
	[tilespmem:$0x11A40] =	vst v63  }
0x21: {  	_ =	swait.ge [sflag:s17], $0x2710  }
0x22: {  	[sflag:s17] =	ssyncset.done $0x0  }
0x23: {  	[sflag:s17] =	ssyncadd.s32 $0xFFFFD8F0  }
0x24: {  	[spmem:s10] =	stream.linear.scatter [tilespmem:s16], [sflag:$0x3], $0x2710, $0x38;
	[tilespmem:$0x11A40] =	vst v63  }
0x25: {  	_ =	swait.ge [sflag:s17], $0x2710  }
0x26: {  	[sflag:s17] =	ssyncset.done $0x0  }
0x27: {  	[sflag:s17] =	ssyncadd.s32 $0xFFFFD8F0  }
0x28: {  	[spmem:s11] =	stream.linear.scatter [tilespmem:s16], [sflag:$0x3], $0x2710, $0x38;
	[tilespmem:$0x11A40] =	vst v63  }
0x29: {  	_ =	swait.ge [sflag:s17], $0x2710  }
0x2a: {  	[sflag:s17] =	ssyncset.done $0x0  }
0x2b: {  	[sflag:s17] =	ssyncadd.s32 $0xFFFFD8F0  }
0x2c: {  	[spmem:s12] =	stream.linear.scatter [tilespmem:s16], [sflag:$0x3], $0x2710, $0x38;
	[tilespmem:$0x11A40] =	vst v63  }
0x2d: {  	_ =	swait.ge [sflag:s17], $0x2710  }
0x2e: {  	[sflag:s17] =	ssyncset.done $0x0  }
0x2f: {  	[sflag:s17] =	ssyncadd.s32 $0xFFFFD8F0  }
0x30: {  	s23 =	simm.s32 $0x0;
	s24 =	simm.s32 $0x0;
	[bflag:$0x0] =	sbarrier.arrive $0xFFFF  }
.LBB2_4:
0x31: {  	s2 =	sshll.u32 s24, $0x7  }
0x32: {  	s2 =	sadd.s32 s13, s2  }
0x33: {  	s2 =	sshrl.u32 s2, $0x3  }
0x34: {  	s25 =	sadd.s32 s1, s2  }
0x35: {  	[tilespmem:s23], [sflag:$0x3] =	stream.linear.gather [hbm4b:s25+s23], $0x80, $0x38;
	[tilespmem:$0x11A40] =	vst v63  }
0x36: {  	_ =	swait.ge [sflag:s17], $0x80  }
0x37: {  	[sflag:s17] =	ssyncset.done $0x0  }
0x38: {  	s2 =	sadd.s32 s5, s2;
	[sflag:s17] =	ssyncadd.s32 $0xFFFFFF80  }
0x39: {  	[tilespmem:s18], [sflag:$0x3] =	stream.linear.gather [hbm4b:s2+s23], $0x80, $0x38;
	[tilespmem:$0x11A40] =	vst v63  }
0x3a: {  	_ =	swait.ge [sflag:s17], $0x80  }
0x3b: {  	[sflag:s17] =	ssyncset.done $0x0  }
0x3c: {  	[sflag:s17] =	ssyncadd.s32 $0xFFFFFF80  }
0x3d: {  	[tilespmem:s20], [sflag:$0x1] =	stream.indirect.gather [hbm4b:s6+s19], $0x50, s23, s19, $0xb8;
	[tilespmem:$0x11A40] =	vst v63  }
0x3e: {  	s26 =	simm.s32 $0x2810  }
0x3f: {  	[tilespmem:s26], [sflag:$0x2] =	stream.indirect.gather [hbm4b:s7+s19], $0x10, s18, s19, $0xb8;
	[tilespmem:$0x11A40] =	vst v63  }
0x40: {  	_ =	swait.ge [sflag:s21], $0x2710  }
0x41: {  	[sflag:s21] =	ssyncset.done $0x0  }
0x42: {  	[sflag:s21] =	ssyncadd.s32 $0xFFFFD8F0  }
0x43: {  	_ =	swait.ge [sflag:s22], $0x7D0  }
0x44: {  	[sflag:s22] =	ssyncset.done $0x0  }
0x45: {  	[sflag:s22] =	ssyncadd.s32 $0xFFFFF830  }
0x46: {  	s30 =	simm.s32 $0x0;
	v2 =	vld [tilespmem:s26+$0x0]  }
0x47: {  	v3 =	vld [tilespmem:s30+$0x140];
	_ =	sdelay $0x3  }
0x48: {  	s0 =	simm.s32 $0x2820;
	v10 =	vld [tilespmem:s30+$0x100]  }
0x49: {  	s25 =	simm.s32 $0x50;
	v4 =	vld [tilespmem:s0+$0x0];
	v2 =	vadd.f32 v2, v3  }
0x4a: {  	v3 =	vld [tilespmem:s25+$0x140]  }
0x4b: {  	v11 =	vld [tilespmem:s30+$0x110];
	v6 =	vmul.f32 $2.000000030e-01, v2  }
0x4c: {  	v13 =	vld [tilespmem:s30+$0x120];
	vm0 =	vge.f32 v2, $0.0e+00  }
0x4d: {  	v5 =	vld [tilespmem:s25+$0x100];
	v2 =	vsel vm0, v2, v6  }
0x4e: {  	s29 =	simm.s32 $0xA0;
	v8 =	vld [tilespmem:s25+$0x110];
	v2 =	vmul.f32 $1.442695020e+00, v2  }
0x4f: {  	s26 =	simm.s32 $0x2830;
	v6 =	vld [tilespmem:s29+$0x140];
	v3 =	vadd.f32 v4, v3  }
0x50: {  	v4 =	vld [tilespmem:s26+$0x0];
	(erf) = vpow2.f32 v2  }
0x51: {  	v12 =	vld [tilespmem:s25+$0x120];
	v7 =	vmul.f32 $2.000000030e-01, v3  }
0x52: {  	v9 =	vld [tilespmem:s29+$0x110];
	s0 =	simm.s32 $0x2840;
	vm13 =	vge.f32 v3, $0.0e+00  }
0x53: {  	v15 =	vld [tilespmem:s0+$0x0];
	s26 =	simm.s32 $0xF0;
	v7 =	vsel vm13, v3, v7  }
0x54: {  	v16 =	vld [tilespmem:s26+$0x140];
	v7 =	vmul.f32 $1.442695020e+00, v7  }
0x55: {  	v17 =	vld [tilespmem:s30+$0x130];
	v14 =	vadd.f32 v4, v6  }
0x56: {  	v2 =	vld [tilespmem:s29+$0x100];
	(erf) = vpow2.f32 v7  }
0x57: {  	v3 =	vld [tilespmem:s29+$0x120];
	v18 =	vmul.f32 $2.000000030e-01, v14  }
0x58: {  	v4 =	vld [tilespmem:s26+$0x100];
	vm14 =	vge.f32 v14, $0.0e+00  }
0x59: {  	s28 =	simm.s32 $0x140;
	v6 =	vld [tilespmem:s26+$0x110];
	v21 =	vadd.f32 v15, v16;
	v18 =	vsel vm14, v14, v18;
	v19 =	vpop (erf)  }
0x5a: {  	v15 =	vld [tilespmem:s28+$0x140];
	v18 =	vmul.f32 $1.442695020e+00, v18;
	v20 =	vperm.xlane v19, v1  }
0x5b: {  	s0 =	simm.s32 $0x2850;
	v16 =	vld [tilespmem:s25+$0x130];
	[tilespmem:s30+$0x3020] =	vst v19;
	v19 =	vmul.f32 $2.000000030e-01, v21  }
0x5c: {  	v14 =	vld [tilespmem:s0+$0x0];
	(erf) = vpow2.f32 v18;
	v17 =	vmul.f32 v17, v20  }
0x5d: {  	v7 =	vld [tilespmem:s26+$0x120];
	v22 =	vmul.f32 v10, v20  }
0x5e: {  	vm15 =	vge.f32 v21, $0.0e+00;
	v10 =	vld [tilespmem:s28+$0x100];
	v23 =	vmul.f32 v11, v20;
	[tilespmem:s30+$0x3010] =	vst v17  }
0x5f: {  	v18 =	vmul.f32 v13, v20;
	v11 =	vld [tilespmem:s28+$0x110];
	v17 =	vsel vm15, v21, v19;
	v19 =	vpop (erf);
	[tilespmem:s30+$0x2FE0] =	vst v22  }
0x60: {  	s31 =	simm.s32 $0x640;
	s2 =	simm.s32 $0x2860;
	v13 =	vld [tilespmem:s28+$0x120];
	[tilespmem:s30+$0x2FF0] =	vst v23;
	v20 =	vmul.f32 $1.442695020e+00, v17;
	v17 =	vperm.xlane v19, v1  }
.LBB2_5:
0x61: {  	s0 =	sshra.s32 s31, $0x2;
	p0 =	sne.s32 s31, $0x9B00;
	s31 =	sadd.s32 $0x140, s31;
	v21 =	vadd.f32 v14, v15;
	v14 =	vld [tilespmem:s2+$0x0];
	[tilespmem:s30+$0x3000] =	vst v18  }
.Ltmp1:
0x62: {  	s30 =	smov.u32 s25;
	v15 =	vld [tilespmem:s0+$0x140];
	(erf) = vpow2.f32 v20;
	[tilespmem:s25+$0x3020] =	vst v19;
	v24 =	vmul.f32 v16, v17;
	s25 =	smov.u32 s29;
	(pc) =	sbr.rel @p0 .LBB2_5-.Ltmp1, $4  }
0x63: {  	v22 =	vmul.f32 v5, v17;
	v5 =	vmovc v2;
	v2 =	vmovc v4;
	s29 =	smov.u32 s26;
	s26 =	smov.u32 s28;
	s28 =	smov.u32 s0;
	v20 =	vmul.f32 $2.000000030e-01, v21;
	v16 =	vld [tilespmem:s25+$0x130];
	v4 =	vmov v10  }
0x64: {  	v23 =	vmul.f32 v8, v17;
	v18 =	vmul.f32 v12, v17;
	v8 =	vmovc v9;
	vm0 =	vge.f32 v21, $0.0e+00;
	v10 =	vld [tilespmem:s28+$0x100];
	[tilespmem:s30+$0x3010] =	vst v24  }
0x65: {  	v9 =	vmov v6;
	v6 =	vmov v11;
	v21 =	vsel vm0, v21, v20;
	v19 =	vpop (erf);
	[tilespmem:s30+$0x2FE0] =	vst v22;
	v11 =	vld [tilespmem:s28+$0x110]  }
0x66: {  	s2 =	sadd.s32 $0x10, s2;
	v12 =	vmovc v3;
	v3 =	vmovc v7;
	v7 =	vmov v13;
	v20 =	vmul.f32 $1.442695020e+00, v21;
	v17 =	vperm.xlane v19, v1;
	[tilespmem:s30+$0x2FF0] =	vst v23;
	v13 =	vld [tilespmem:s28+$0x120]  }
0x67: {  	_ = 	snop  }
0x68: {  	v14 =	vadd.f32 v14, v15;
	(erf) = vpow2.f32 v20;
	_ =	sdelay $0x1  }
0x69: {  	v15 =	vmul.f32 $2.000000030e-01, v14  }
0x6a: {  	vm0 =	vge.f32 v14, $0.0e+00  }
0x6b: {  	[tilespmem:s30+$0x3000] =	vst v18;
	v16 =	vmul.f32 v16, v17;
	v14 =	vsel vm0, v14, v15  }
0x6c: {  	[tilespmem:s25+$0x3020] =	vst v19;
	v5 =	vmul.f32 v5, v17;
	v56 =	vpop (erf);
	v14 =	vmul.f32 $1.442695020e+00, v14  }
0x6d: {  	v55 =	vld [tilespmem:s29+$0x130];
	v8 =	vmul.f32 v8, v17;
	[tilespmem:s25+$0x3010] =	vst v16;
	v57 =	vperm.xlane v56, v1  }
0x6e: {  	v59 =	vld [tilespmem:s26+$0x130];
	v12 =	vmul.f32 v12, v17;
	[tilespmem:s25+$0x2FE0] =	vst v5;
	(erf) = vpow2.f32 v14  }
0x6f: {  	[tilespmem:s25+$0x2FF0] =	vst v8;
	v2 =	vmul.f32 v2, v57  }
0x70: {  	[tilespmem:s25+$0x3000] =	vst v12;
	v60 =	vpop (erf)  }
0x71: {  	v3 =	vmul.f32 v3, v57;
	[tilespmem:s29+$0x2FE0] =	vst v2;
	v2 =	vperm.xlane v60, v1  }
0x72: {  	[tilespmem:s29+$0x3020] =	vst v56;
	v58 =	vmul.f32 v55, v57  }
0x73: {  	v9 =	vmul.f32 v9, v57;
	[tilespmem:s29+$0x3000] =	vst v3;
	v3 =	vmul.f32 v59, v2  }
0x74: {  	[tilespmem:s29+$0x3010] =	vst v58  }
0x75: {  	v61 =	vld [tilespmem:s28+$0x130];
	[tilespmem:s29+$0x2FF0] =	vst v9  }
0x76: {  	[tilespmem:s26+$0x3020] =	vst v60;
	v4 =	vmul.f32 v4, v2  }
0x77: {  	v6 =	vmul.f32 v6, v2;
	[tilespmem:s26+$0x3010] =	vst v3;
	v3 =	vpop (erf)  }
0x78: {  	v2 =	vmul.f32 v7, v2;
	[tilespmem:s26+$0x2FE0] =	vst v4;
	v62 =	vperm.xlane v3, v1  }
0x79: {  	[tilespmem:s26+$0x2FF0] =	vst v6  }
0x7a: {  	[tilespmem:s26+$0x3000] =	vst v2;
	v2 =	vmul.f32 v61, v62  }
0x7b: {  	[tilespmem:s28+$0x3020] =	vst v3;
	v3 =	vmul.f32 v10, v62  }
0x7c: {  	v63 =	vmul.f32 v11, v62;
	[tilespmem:s28+$0x3010] =	vst v2  }
0x7d: {  	s24 =	sadd.s32 $0x1, s24;
	v2 =	vmul.f32 v13, v62;
	[tilespmem:s28+$0x2FE0] =	vst v3  }
0x7e: {  	p0 =	sne.s32 s24, $0x50;
	[tilespmem:s28+$0x2FF0] =	vst v63  }
.Ltmp2:
0x7f: {  	[tilespmem:s28+$0x3000] =	vst v2;
	(pc) =	sbr.rel @p0 .LBB2_4-.Ltmp2, $4  }
0x80: {  	[spmem:s3] =	stream.indirect.scatter.add.f32 [tilespmem:s16], [sflag:$0x3], $0x50, s18, s19, $0xb8;
	[tilespmem:$0x11A40] =	vst v63  }
0x81: {  	_ =	swait.ge [sflag:s17], $0x2710  }
0x82: {  	[sflag:s17] =	ssyncset.done $0x0  }
0x83: {  	[sflag:s17] =	ssyncadd.s32 $0xFFFFD8F0  }
0x84: {  	s0 =	stileid.u32;
	s4 =	sadd.s32 $0x1, s4  }
0x85: {  	[bflag:$0x0] =	sbarrier.arrive $0xFFFF;
	s0 =	sshll.u32 s0, $0x6;
	p0 =	sne.s32 s4, s15  }
.Ltmp3:
0x86: {  	s2 =	sshrl.u32 s8, $0x3;
	s0 =	sor.u32 $0x1C03, s0;
	(pc) =	sbr.rel @p0 .LBB2_1-.Ltmp3, $4  }
0x87: {  	[hbm:s14], [sflag:s0] =	dma.local [spmem:s2], $0x186A  }
0x88: {  	_ =	swait.ge [sflag:s17], $0x186A  }
0x89: {  	[sflag:s17] =	ssyncset.done $0x0  }
0x8a: {  	[sflag:s17] =	ssyncadd.s32 $0xFFFFE796  }
0x8b: {  	_ =	sfence.sel $0x180000  }
0x8c: {  	[bflag:$0x0] =	sbarrier.arrive $0xFFFF  }
0x8d: {  	_ =	strace $0x9000004A  }
0x8e: {  	s0 =	stileid.u32;
	[bflag:$0x2] =	sbarrier.arrive $0xFFFF  }
0x8f: {  	p0 =	sne.s32 s0, $0x0;
	s0 =	rddreg [dreg:$0x3]  }
0x90: {  	s0 =	sadd.s32 @!p0 $0x100000, s0  }
0x91: {  	[sflag:s0] =	ssyncadd.tile.s32 @!p0 $0x1;
	_ =	shalt  }
.Lfunc_end2:
_tile_overlayer_lowered:
.L_overlay_start_2:
0x92: {  	(tag) =	ssettag $0x2  }
0x93: {  	s0 =	rddreg [dreg:$0x0];
	s2 =	stileid.u32  }
0x94: {  	s1 =	rddreg [dreg:$0x1];
	p0 =	sne.s32 s2, $0x0  }
0x95: {  	s3 =	rddreg [dreg:$0x2];
	[bflag:$0x3] =	sbarrier.arrive $0xFFFF;
	s2 =	simm.s32 @!p0 $0x1C03  }
0x96: {  	[timem:s3], [sflag:s2] =	dma.local @!p0 [hbm:s0], s1  }
0x97: {  	s0 =	simm.s32 @!p0 $0x3  }
0x98: {  	_ =	swait.ge @!p0 [sflag:s0], s1  }
0x99: {  	s1 =	ssub.s32 @!p0 $0x0, s1;
	[sflag:s0] =	ssyncset.done @!p0 $0x0  }
0x9a: {  	[sflag:s0] =	ssyncadd.s32 @!p0 s1  }
0x9b: {  	[bflag:$0x3] =	sbarrier.arrive $0xFFFF  }
0x9c: {  	_ =	shalt  }

// kernel: kernel.7.cloned.1.call-start
scs
__scs_entry_jumppad:
0x0: {  	(pc) =	sbr.rel $0x88, $3  }
0x1: {  	(tag) =	ssettag $0x0;
	lr =	simm.s32 $0x1  }
0x2: {  	[smem:$0x3F97] =	sst lr;
	_ =	strace $0xD0000000  }
0x3: {  	_ = 	snop  }
0x4: {  	_ = 	snop  }
0x5: {  	_ = 	snop  }
0x6: {  	_ = 	snop  }
0x7: {  	_ = 	snop  }
__scs_overlays_trampoline_lowered:
0x8: {  	[smem:$0x3FA6] =	sst s0  }
0x9: {  	[smem:$0x3FA7] =	sst s1  }
0xa: {  	[smem:$0x3FA8] =	sst s2  }
0xb: {  	[smem:$0x3FA9] =	sst s3  }
0xc: {  	[smem:$0x3FAA] =	sst s4  }
0xd: {  	[smem:$0x3FAB] =	sst s5  }
0xe: {  	[smem:$0x3FAC] =	sst s6  }
0xf: {  	[smem:$0x3FAD] =	sst s7  }
0x10: {  	[smem:$0x3FAE] =	sst s8  }
0x11: {  	[smem:$0x3FAF] =	sst s9;
	s0 =	simm.s32 @!p0 $0x0  }
0x12: {  	s1 =	sld [smem:$0x3F95];
	s0 =	simm.s32 @p0 $0x1  }
0x13: {  	[smem:$0x3FB0] =	sst s0;
	s0 =	simm.s32 @!p1 $0x0  }
0x14: {  	s2 =	sld [smem:$0x3F94];
	s0 =	simm.s32 @p1 $0x1  }
0x15: {  	[smem:$0x3FB1] =	sst s0;
	s0 =	simm.s32 @!p2 $0x0  }
0x16: {  	s3 =	sld [smem:$0x3FDB];
	s0 =	simm.s32 @p2 $0x1  }
0x17: {  	s4 =	simm.s32 $0x1BF5;
	[smem:$0x3FB3] =	sst s0  }
0x18: {  	s0 =	sld [smem:$0x3F96];
	_ =	swait.ge [sflag:s4], $0x0  }
0x19: {  	s7 =	sld [smem:$0x3F97]  }
0x1a: {  	s8 =	sadd.s32 $0xFFFFE003, lr  }
0x1b: {  	s9 =	sadd.s32 $0xFFFFFEF7, lr;
	s5 =	simm.s32 $0xFFFFFFFF;
	p2 =	slt.u32 s8, $0xFFFFF086  }
0x1c: {  	p1 =	slt.u32 s9, $0xF7A;
	s5 =	simm.s32 @!p2 $0x0  }
0x1d: {  	s5 =	simm.s32 @p1 $0x1;
	p0 =	seq.s32 s7, s2  }
0x1e: {  	s7 =	smul.u32 @!p0 $0xF7A, s2;
	p2 =	seq.s32 @!p0 s5, $0x0  }
0x1f: {  	s9 =	smul.u32 $0xF7A, s1;
	s8 =	simm.s32 @!p0 $0x1BF5;
	p2 =	por !p2, p0  }
0x20: {  	[sflag:s8] =	ssyncset.s32 @!p0 $0xFFFFF086;
	s6 =	sadd.s32 @!p0 s3, s7;
	s7 =	simm.s32 @!p0 $0x108  }
0x21: {  	s3 =	sadd.s32 s3, s9;
	s6 =	sadd.s32 @!p0 $0x88, s6;
	s7 =	simm.s32 @p2 $0x1082  }
0x22: {  	[simem:s7], [sflag:s8] =	dma.local @!p0 [hbm:s6], $0xF7A  }
0x23: {  	s9 =	sor.u32 $0xD0000000, s2;
	s6 =	simm.s32 $0x108;
	_ =	swait.ge @!p0 [sflag:s8], $0x0  }
0x24: {  	s3 =	sadd.s32 $0x88, s3;
	s6 =	simm.s32 @!p1 $0x1082;
	[sflag:s4] =	ssyncset.s32 $0xFFFFF086  }
0x25: {  	[simem:s6], [sflag:s4] =	dma.local [hbm:s3], $0xF7A  }
0x26: {  	[smem:$0x3F97] =	sst s1;
	(tag) =	ssettag s2;
	_ =	strace s9  }
0x27: {  	s1 =	sld [smem:$0x3FA7]  }
0x28: {  	s2 =	sld [smem:$0x3FA8]  }
0x29: {  	s4 =	sld [smem:$0x3FAA]  }
0x2a: {  	p0 =	seq.s32 s5, $0x0;
	s5 =	sld [smem:$0x3FAB]  }
0x2b: {  	s6 =	sld [smem:$0x3FAC]  }
0x2c: {  	s7 =	sld [smem:$0x3FAD]  }
0x2d: {  	s3 =	simm.s32 $0x108;
	s8 =	sld [smem:$0x3FAE]  }
0x2e: {  	s3 =	simm.s32 @!p0 $0x1082;
	s9 =	sld [smem:$0x3FAF]  }
0x2f: {  	lr =	sadd.s32 s0, s3;
	s0 =	sld [smem:$0x3FA6]  }
0x30: {  	s3 =	sld [smem:$0x3FA9]  }
0x31: {  	[smem:$0x3FB2] =	sst s10  }
0x32: {  	s10 =	sld [smem:$0x3FB0];
	_ =	sdelay $0x3  }
0x33: {  	p0 =	seq.s32 s10, $0x1;
	s10 =	sld [smem:$0x3FB2];
	_ =	sdelay $0x3  }
0x34: {  	[smem:$0x3FB2] =	sst s10  }
0x35: {  	s10 =	sld [smem:$0x3FB1];
	_ =	sdelay $0x3  }
0x36: {  	p1 =	seq.s32 s10, $0x1;
	s10 =	sld [smem:$0x3FB2];
	_ =	sdelay $0x3  }
0x37: {  	[smem:$0x3FB2] =	sst s10  }
0x38: {  	s10 =	sld [smem:$0x3FB3]  }
0x39: {  	_ = 	snop;
	(pc) =	sbr.ind lr, $3  }
0x3a: {  	_ = 	snop  }
0x3b: {  	_ = 	snop  }
0x3c: {  	p2 =	seq.s32 s10, $0x1;
	s10 =	sld [smem:$0x3FB2]  }
0x3d: {  	_ =	shalt  }
0x3e: {  	_ =	shalt  }
0x3f: {  	_ =	shalt  }
0x40: {  	_ =	shalt  }
0x41: {  	_ =	shalt  }
0x42: {  	_ =	shalt  }
0x43: {  	_ =	shalt  }
0x44: {  	_ =	shalt  }
0x45: {  	_ =	shalt  }
0x46: {  	_ =	shalt  }
0x47: {  	_ =	shalt  }
0x48: {  	_ =	shalt  }
0x49: {  	_ =	shalt  }
0x4a: {  	_ =	shalt  }
0x4b: {  	_ =	shalt  }
0x4c: {  	_ =	shalt  }
0x4d: {  	_ =	shalt  }
0x4e: {  	_ =	shalt  }
0x4f: {  	_ =	shalt  }
0x50: {  	_ =	shalt  }
0x51: {  	_ =	shalt  }
0x52: {  	_ =	shalt  }
0x53: {  	_ =	shalt  }
0x54: {  	_ =	shalt  }
0x55: {  	_ =	shalt  }
0x56: {  	_ =	shalt  }
0x57: {  	_ =	shalt  }
0x58: {  	_ =	shalt  }
0x59: {  	_ =	shalt  }
0x5a: {  	_ =	shalt  }
0x5b: {  	_ =	shalt  }
0x5c: {  	_ =	shalt  }
0x5d: {  	_ =	shalt  }
0x5e: {  	_ =	shalt  }
0x5f: {  	_ =	shalt  }
0x60: {  	_ =	shalt  }
0x61: {  	_ =	shalt  }
0x62: {  	_ =	shalt  }
0x63: {  	_ =	shalt  }
0x64: {  	_ =	shalt  }
0x65: {  	_ =	shalt  }
0x66: {  	_ =	shalt  }
0x67: {  	_ =	shalt  }
0x68: {  	_ =	shalt  }
0x69: {  	_ =	shalt  }
0x6a: {  	_ =	shalt  }
0x6b: {  	_ =	shalt  }
0x6c: {  	_ =	shalt  }
0x6d: {  	_ =	shalt  }
0x6e: {  	_ =	shalt  }
0x6f: {  	_ =	shalt  }
0x70: {  	_ =	shalt  }
0x71: {  	_ =	shalt  }
0x72: {  	_ =	shalt  }
0x73: {  	_ =	shalt  }
0x74: {  	_ =	shalt  }
0x75: {  	_ =	shalt  }
0x76: {  	_ =	shalt  }
0x77: {  	_ =	shalt  }
0x78: {  	_ =	shalt  }
0x79: {  	_ =	shalt  }
0x7a: {  	_ =	shalt  }
0x7b: {  	_ =	shalt  }
0x7c: {  	_ =	shalt  }
0x7d: {  	_ =	shalt  }
0x7e: {  	_ =	shalt  }
0x7f: {  	_ =	shalt  }
0x80: {  	_ =	shalt  }
0x81: {  	_ =	shalt  }
0x82: {  	_ =	shalt  }
0x83: {  	_ =	shalt  }
0x84: {  	_ =	shalt  }
0x85: {  	_ =	shalt  }
0x86: {  	_ =	shalt  }
0x87: {  	_ =	shalt  }
.Lfunc_end0:
.L_simem_size_0:
called_computation_lowered:
.L_overlay_start_0:
0x88: {  	s2 =	sld [smem:$0x3FD9]  }
0x89: {  	s3 =	sld [smem:$0x3FFE];
	_ =	sdelay $0x1  }
0x8a: {  	s1 =	srdreg.scid  }
0x8b: {  	s0 =	sand.u32 $0x1, s1  }
0x8c: {  	s17 =	sshll.u32 s0, $0xA;
	s2 =	sadd.s32 s3, s2  }
0x8d: {  	s2 =	sadd.s32 s2, s17  }
0x8e: {  	[smem:$0x3FBE] =	sst s2  }
0x8f: {  	_ = 	snop  }
0x90: {  	s2 =	sld [smem:$0x3FD0];
	(tm) =	ssettm $0x1  }
0x91: {  	s18 =	sld [smem:$0x3FFB];
	_ =	sdelay $0x3  }
0x92: {  	_ =	strace s18  }
0x93: {  	s3 =	sld [smem:$0x3FFC];
	_ =	sdelay $0x3  }
0x94: {  	_ =	strace s3  }
0x95: {  	s3 =	sld [smem:$0x3FFD];
	_ =	sdelay $0x3  }
0x96: {  	_ =	strace s3  }
0x97: {  	_ =	strace $0x8FFFFFFF  }
0x98: {  	s19 =	sld [smem:$0x3FDB];
	_ =	sdelay $0x1  }
0x99: {  	s4 =	simm.s32 $_scs_section_size  }
0x9a: {  	s5 =	simm.s32 $_size__tile_overlayer_lowered;
	s6 =	simm.s32 $_tile_overlayer_lowered  }
0x9b: {  	s22 =	simm.s32 $0x1BFF;
	s21 =	sshll.u32 s6, $0x1;
	s3 =	sadd.s32 s4, s19  }
0x9c: {  	s7 =	simm.s32 $0x0;
	s20 =	sshll.u32 s5, $0x1;
	s5 =	sadd.s32 s21, s3  }
0x9d: {  	[timem:s7], [sflag:s22] =	dma.local [hbm:s5], s20  }
0x9e: {  	_ =	swait.ge [sflag:s22], s20  }
0x9f: {  	s4 =	ssub.s32 $0x0, s20;
	[sflag:s22] =	ssyncset.done $0x0  }
0xa0: {  	[sflag:s22] =	ssyncadd.s32 s4;
	_ =	sdelay $0x1  }
0xa1: {  	s23 =	simm.s32 $0x1B8B  }
0xa2: {  	_ =	swait.ge [sflag:s23], $0x1  }
0xa3: {  	[sflag:s23] =	ssyncset.done $0x0  }
0xa4: {  	s25 =	simm.s32 $0x1B8E;
	s24 =	sld [smem:$0x3FFE];
	[sflag:s23] =	ssyncadd.s32 $0xFFFFFFFF  }
0xa5: {  	s26 =	simm.s32 $execute0_lowered;
	[smem:$0x3FD2] =	sst s25  }
0xa6: {  	s5 =	sshll.u32 s26, $0x1;
	_ =	strace $0x80000046;
	[dreg:$0x1] =	wrdreg $0xFFFFFFFF  }
0xa7: {  	s28 =	simm.s32 $_size_execute0_lowered;
	s3 =	sadd.s32 s3, s5;
	[dreg:$0x0] =	wrdreg $0x0  }
0xa8: {  	s5 =	sshll.u32 s28, $0x1;
	[dreg:$0x2] =	wrdreg s3  }
0xa9: {  	[dreg:$0x3] =	wrdreg s5  }
0xaa: {  	[dreg:$0x4] =	wrdreg $0xC0  }
0xab: {  	_ =	task [dreg:s7], $0x5FFFF  }
0xac: {  	[dreg:$0x1] =	wrdreg $0xFFFFFFFF  }
0xad: {  	[dreg:$0x0] =	wrdreg $0x60  }
0xae: {  	[dreg:$0x2] =	wrdreg s2  }
0xaf: {  	[dreg:$0x3] =	wrdreg s24  }
0xb0: {  	[dreg:$0x4] =	wrdreg $0x95700  }
0xb1: {  	[dreg:$0x5] =	wrdreg $0x9  }
0xb2: {  	_ =	task.clear_ibuf [dreg:s7], $0x6FFFF;
	_ =	strace $0x90000046  }
0xb3: {  	s29 =	simm.s32 $0x9;
	_ =	strace $0x80000048  }
0xb4: {  	_ =	swait.ge [sflag:s29], $0x1  }
0xb5: {  	[sflag:s29] =	ssyncadd.s32 $0xFFFFFFFF  }
0xb6: {  	_ =	strace $0x90000048  }
0xb7: {  	_ =	sfence  }
0xb8: {  	s30 =	sld [smem:$0x0];
	_ =	sdelay $0x2  }
0xb9: {  	s31 =	sshll.u32 s1, $0xD;
	s1 =	sshrl.u32 s1, $0x2  }
0xba: {  	s3 =	sand.u32 $0x4000, s31;
	s1 =	sadd.s32 s1, s30  }
0xbb: {  	s0 =	sor.u32 s3, s0;
	s1 =	sshll.u32 s1, $0x11  }
0xbc: {  	s0 =	sor.u32 s1, s0  }
0xbd: {  	s0 =	sadd.s32 $0x8F2B, s0  }
0xbe: {  	[sflag:s0] =	ssyncadd.remote.s32 $0x1  }
0xbf: {  	_ =	sfence.sel $0xFFFF  }
0xc0: {  	[dreg:$0x0] =	wrdreg $0xFFFFFFFF;
	(pc) =	sbr.abs _section_cstart, $3  }
0xc1: {  	[dreg:$0x1] =	wrdreg $0xFFFFFFFF  }
0xc2: {  	_ =	task.clear_ibuf [dreg:s7], $0x2FFFF;
	_ =	strace $0x9FFFFFFF  }
0xc3: {  	(tm) =	ssettm $0x7FFFFFFF  }
tec
execute0_lowered:
.L_overlay_start_1:
0x0: {  	(tag) =	ssettag $0x1  }
0x1: {  	s1 =	rddreg [dreg:$0x0]  }
0x2: {  	s8 =	rddreg [dreg:$0x1];
	s2 =	srdreg.scid  }
0x3: {  	s0 =	stileid.u32;
	s3 =	rddreg [dreg:$0x2]  }
0x4: {  	s4 =	simm.s32 $0x0;
	s16 =	simm.s32 $0x4F20;
	s17 =	simm.s32 $0x3  }
0x5: {  	s18 =	simm.s32 $0x80;
	s19 =	simm.s32 $0x7D;
	s20 =	simm.s32 $0x100  }
0x6: {  	s21 =	simm.s32 $0x1;
	s22 =	simm.s32 $0x2;
	s10 =	smul.u32 $0x15F90, s0  }
0x7: {  	s9 =	sand.u32 $0x1, s2;
	s2 =	rddreg [dreg:$0x3];
	s12 =	smul.u32 $0x57E40, s0  }
0x8: {  	[smem:$0x7FF] =	sst s4;
	s5 =	sadd.s32 $0x31600, s8;
	s6 =	smul.u32 $0x15F900, s9  }
0x9: {  	_ =	strace $0x80000047;
	s30 =	ssub.s32 $0x2, s9;
	s9 =	sshll.u32 s9, $0x4  }
0xa: {  	s31 =	sshrl.u32 s30, $0x1;
	s12 =	sshrl.u32 s12, $0x2;
	s13 =	sor.u32 s0, s9  }
0xb: {  	s7 =	sadd.s32 s10, s6;
	s6 =	sadd.s32 $0x600, s8;
	s15 =	ssub.s32 s30, s31  }
0xc: {  	s12 =	sadd.s32 s12, s3;
	s13 =	smul.u32 $0x2800, s13;
	s11 =	sshrl.u32 s7, $0x3  }
0xd: {  	v0 =	vimm.f32 $0.0e+00;
	v1 =	vimm.s32 $0x0;
	v2 =	vimm.s32 $0x1;
	s7 =	sadd.s32 $0x2C600, s8;
	s9 =	sadd.s32 $0x4650, s12;
	s15 =	smax.u32 s15, $0x1  }
0xe: {  	v3 =	vimm.s32 $0x2;
	v4 =	vimm.s32 $0x3;
	v5 =	vimm.s32 $0x4;
	s14 =	sadd.s32 s11, s8;
	s8 =	sadd.s32 s10, s3;
	s10 =	sadd.s32 $0x8CA0, s12  }
0xf: {  	v6 =	vimm.s32 $0x5;
	v7 =	vimm.s32 $0x6;
	v8 =	vimm.s32 $0x7;
	s11 =	sadd.s32 $0xD2F0, s12;
	s12 =	sadd.s32 $0x11940, s12;
	s14 =	sadd.s32 $0x3B600, s14  }
.LBB2_1:
0x10: {  	s23 =	simm.s32 $0x0;
	s24 =	simm.s32 $0x240  }
.LBB2_2:
0x11: {  	p0 =	sne.s32 s24, $0x11700;
	[tilespmem:s23+$0x4FA0] =	vst v0  }
0x12: {  	[tilespmem:s23+$0x4F20] =	vst v0  }
0x13: {  	[tilespmem:s23+$0x4F30] =	vst v0  }
0x14: {  	[tilespmem:s23+$0x4F40] =	vst v0  }
.Ltmp0:
0x15: {  	[tilespmem:s23+$0x4F50] =	vst v0;
	(pc) =	sbr.rel @p0 .LBB2_2-.Ltmp0, $4  }
0x16: {  	[tilespmem:s23+$0x4F60] =	vst v0  }
0x17: {  	[tilespmem:s23+$0x4F70] =	vst v0  }
0x18: {  	[tilespmem:s23+$0x4F80] =	vst v0  }
0x19: {  	[tilespmem:s23+$0x4F90] =	vst v0;
	s23 =	sshra.s32 s24, $0x2;
	s24 =	sadd.s32 $0x240, s24  }
0x1a: {  	[tilespmem:s23+$0x4FA0] =	vst v0  }
0x1b: {  	[tilespmem:s23+$0x4F20] =	vst v0  }
0x1c: {  	[tilespmem:s23+$0x4F30] =	vst v0  }
0x1d: {  	[tilespmem:s23+$0x4F40] =	vst v0  }
0x1e: {  	[tilespmem:s23+$0x4F50] =	vst v0  }
0x1f: {  	[tilespmem:s23+$0x4F60] =	vst v0  }
0x20: {  	[tilespmem:s23+$0x4F70] =	vst v0  }
0x21: {  	[tilespmem:s23+$0x4F80] =	vst v0  }
0x22: {  	[tilespmem:s23+$0x4F90] =	vst v0  }
0x23: {  	[spmem:s8] =	stream.linear.scatter [tilespmem:s16], [sflag:$0x3], $0x4650, $0x38;
	[tilespmem:$0x1F500] =	vst v63  }
0x24: {  	_ =	swait.ge [sflag:s17], $0x4650  }
0x25: {  	[sflag:s17] =	ssyncset.done $0x0  }
0x26: {  	[sflag:s17] =	ssyncadd.s32 $0xFFFFB9B0  }
0x27: {  	[spmem:s9] =	stream.linear.scatter [tilespmem:s16], [sflag:$0x3], $0x4650, $0x38;
	[tilespmem:$0x1F500] =	vst v63  }
0x28: {  	_ =	swait.ge [sflag:s17], $0x4650  }
0x29: {  	[sflag:s17] =	ssyncset.done $0x0  }
0x2a: {  	[sflag:s17] =	ssyncadd.s32 $0xFFFFB9B0  }
0x2b: {  	[spmem:s10] =	stream.linear.scatter [tilespmem:s16], [sflag:$0x3], $0x4650, $0x38;
	[tilespmem:$0x1F500] =	vst v63  }
0x2c: {  	_ =	swait.ge [sflag:s17], $0x4650  }
0x2d: {  	[sflag:s17] =	ssyncset.done $0x0  }
0x2e: {  	[sflag:s17] =	ssyncadd.s32 $0xFFFFB9B0  }
0x2f: {  	[spmem:s11] =	stream.linear.scatter [tilespmem:s16], [sflag:$0x3], $0x4650, $0x38;
	[tilespmem:$0x1F500] =	vst v63  }
0x30: {  	_ =	swait.ge [sflag:s17], $0x4650  }
0x31: {  	[sflag:s17] =	ssyncset.done $0x0  }
0x32: {  	[sflag:s17] =	ssyncadd.s32 $0xFFFFB9B0  }
0x33: {  	[spmem:s12] =	stream.linear.scatter [tilespmem:s16], [sflag:$0x3], $0x4650, $0x38;
	[tilespmem:$0x1F500] =	vst v63  }
0x34: {  	_ =	swait.ge [sflag:s17], $0x4650  }
0x35: {  	[sflag:s17] =	ssyncset.done $0x0  }
0x36: {  	[sflag:s17] =	ssyncadd.s32 $0xFFFFB9B0  }
0x37: {  	s23 =	simm.s32 $0x0;
	s24 =	simm.s32 $0x0;
	[bflag:$0x0] =	sbarrier.arrive $0xFFFF  }
.LBB2_4:
0x38: {  	s25 =	sshll.u32 s24, $0x7  }
0x39: {  	s25 =	sadd.s32 s13, s25  }
0x3a: {  	s25 =	sshrl.u32 s25, $0x3  }
0x3b: {  	s26 =	sadd.s32 s1, s25  }
0x3c: {  	[tilespmem:s23], [sflag:$0x3] =	stream.linear.gather [hbm4b:s26+s23], $0x80, $0x38;
	[tilespmem:$0x1F500] =	vst v63  }
0x3d: {  	_ =	swait.ge [sflag:s17], $0x80  }
0x3e: {  	[sflag:s17] =	ssyncset.done $0x0  }
0x3f: {  	s25 =	sadd.s32 s5, s25;
	[sflag:s17] =	ssyncadd.s32 $0xFFFFFF80  }
0x40: {  	[tilespmem:s18], [sflag:$0x3] =	stream.linear.gather [hbm4b:s25+s23], $0x80, $0x38;
	[tilespmem:$0x1F500] =	vst v63  }
0x41: {  	_ =	swait.ge [sflag:s17], $0x80  }
0x42: {  	[sflag:s17] =	ssyncset.done $0x0  }
0x43: {  	[sflag:s17] =	ssyncadd.s32 $0xFFFFFF80  }
0x44: {  	[tilespmem:s20], [sflag:$0x1] =	stream.indirect.gather [hbm4b:s6+s19], $0x90, s23, s19, $0xb8;
	[tilespmem:$0x1F500] =	vst v63  }
0x45: {  	s26 =	simm.s32 $0x4750  }
0x46: {  	[tilespmem:s26], [sflag:$0x2] =	stream.indirect.gather [hbm4b:s7+s19], $0x10, s18, s19, $0xb8;
	[tilespmem:$0x1F500] =	vst v63  }
0x47: {  	_ =	swait.ge [sflag:s21], $0x4650  }
0x48: {  	[sflag:s21] =	ssyncset.done $0x0  }
0x49: {  	[sflag:s21] =	ssyncadd.s32 $0xFFFFB9B0  }
0x4a: {  	_ =	swait.ge [sflag:s22], $0x7D0  }
0x4b: {  	[sflag:s22] =	ssyncset.done $0x0  }
0x4c: {  	[sflag:s22] =	ssyncadd.s32 $0xFFFFF830  }
0x4d: {  	s29 =	simm.s32 $0x0;
	v9 =	vld [tilespmem:s26+$0x0]  }
0x4e: {  	v10 =	vld [tilespmem:s29+$0x180]  }
0x4f: {  	v25 =	vld [tilespmem:s29+$0x100]  }
0x50: {  	v27 =	vld [tilespmem:s29+$0x110]  }
0x51: {  	v29 =	vld [tilespmem:s29+$0x120]  }
0x52: {  	v31 =	vld [tilespmem:s29+$0x130]  }
0x53: {  	v34 =	vld [tilespmem:s29+$0x140];
	v9 =	vadd.f32 v9, v10  }
0x54: {  	v24 =	vld [tilespmem:s29+$0x150]  }
0x55: {  	s25 =	simm.s32 $0x4760;
	v23 =	vld [tilespmem:s29+$0x160];
	v10 =	vmul.f32 $2.000000030e-01, v9  }
0x56: {  	s26 =	simm.s32 $0x90;
	v11 =	vld [tilespmem:s25+$0x0];
	vm0 =	vge.f32 v9, $0.0e+00  }
0x57: {  	v9 =	vsel vm0, v9, v10;
	v10 =	vld [tilespmem:s26+$0x180]  }
0x58: {  	s28 =	simm.s32 $0x4770;
	v18 =	vld [tilespmem:s29+$0x170];
	v9 =	vmul.f32 $1.442695020e+00, v9  }
0x59: {  	v21 =	vld [tilespmem:s28+$0x0]  }
0x5a: {  	v17 =	vld [tilespmem:s26+$0x100];
	(erf) = vpow2.f32 v9  }
0x5b: {  	s25 =	simm.s32 $0x120;
	v16 =	vld [tilespmem:s26+$0x110]  }
0x5c: {  	v22 =	vld [tilespmem:s25+$0x180];
	v9 =	vadd.f32 v11, v10  }
0x5d: {  	v13 =	vld [tilespmem:s26+$0x120]  }
0x5e: {  	v14 =	vld [tilespmem:s26+$0x130];
	v11 =	vmul.f32 $2.000000030e-01, v9  }
0x5f: {  	v15 =	vld [tilespmem:s26+$0x140];
	vm14 =	vge.f32 v9, $0.0e+00  }
0x60: {  	v12 =	vld [tilespmem:s26+$0x150];
	v9 =	vsel vm14, v9, v11  }
0x61: {  	v20 =	vld [tilespmem:s25+$0x120];
	v37 =	vadd.f32 v21, v22;
	v19 =	vmul.f32 $1.442695020e+00, v9  }
0x62: {  	v21 =	vld [tilespmem:s25+$0x150]  }
0x63: {  	v22 =	vld [tilespmem:s25+$0x160];
	v63 =	vmul.f32 $2.000000030e-01, v37;
	v30 =	vpop (erf);
	(erf) = vpow2.f32 v19  }
0x64: {  	v10 =	vld [tilespmem:s26+$0x160];
	v26 =	vperm.xlane v30, v8;
	v32 =	vperm.xlane v30, v1  }
0x65: {  	v11 =	vld [tilespmem:s25+$0x100];
	v33 =	vperm.xlane v30, v2;
	v35 =	vperm.xlane v30, v3  }
0x66: {  	v9 =	vld [tilespmem:s25+$0x110];
	v38 =	vperm.xlane v30, v4;
	v39 =	vperm.xlane v30, v5  }
0x67: {  	v19 =	vld [tilespmem:s25+$0x130];
	v28 =	vperm.xlane v30, v6;
	v36 =	vmul.f32 v18, v26  }
0x68: {  	[tilespmem:s29+$0x4FA0] =	vst v30;
	v18 =	vld [tilespmem:s25+$0x140];
	v26 =	vperm.xlane v30, v7;
	v40 =	vmul.f32 v25, v32  }
0x69: {  	s30 =	simm.s32 $0x4780;
	vm15 =	vge.f32 v37, $0.0e+00;
	v25 =	vld [tilespmem:s26+$0x170];
	v32 =	vmul.f32 v27, v33;
	v30 =	vmul.f32 v29, v35;
	[tilespmem:s29+$0x4F90] =	vst v36  }
0x6a: {  	s31 =	simm.s32 $0x900;
	s28 =	simm.s32 $0x1B0;
	v27 =	vld [tilespmem:s30+$0x0];
	v33 =	vsel vm15, v37, v63;
	v31 =	vmul.f32 v31, v38;
	v29 =	vmul.f32 v34, v39;
	[tilespmem:s29+$0x4F20] =	vst v40  }
.LBB2_5:
0x6b: {  	p0 =	sne.s32 s31, $0x11700;
	v34 =	vld [tilespmem:s28+$0x180];
	v33 =	vmul.f32 $1.442695020e+00, v33;
	[tilespmem:s29+$0x4F30] =	vst v32;
	v28 =	vmul.f32 v24, v28;
	v35 =	vmovc v13;
	v13 =	vmovc v20;
	v36 =	vmov v14  }
0x6c: {  	v26 =	vmul.f32 v23, v26;
	v14 =	vmov v19;
	v38 =	vmov v15;
	v32 =	vld [tilespmem:s28+$0x100];
	v37 =	vpop (erf);
	[tilespmem:s29+$0x4F40] =	vst v30  }
0x6d: {  	v15 =	vmovc v18;
	v24 =	vmovc v12;
	v12 =	vmov v21;
	v39 =	vld [tilespmem:s28+$0x110];
	(erf) = vpow2.f32 v33;
	v30 =	vperm.xlane v37, v8;
	[tilespmem:s29+$0x4F50] =	vst v31  }
0x6e: {  	v23 =	vmovc v10;
	v31 =	vperm.xlane v37, v1;
	v33 =	vperm.xlane v37, v2;
	v10 =	vmov v22;
	v20 =	vld [tilespmem:s28+$0x120];
	[tilespmem:s29+$0x4F60] =	vst v29  }
0x6f: {  	v29 =	vperm.xlane v37, v3;
	v19 =	vld [tilespmem:s28+$0x130];
	v22 =	vmul.f32 v25, v30;
	[tilespmem:s29+$0x4F70] =	vst v28  }
.Ltmp1:
0x70: {  	v40 =	vperm.xlane v37, v4;
	v41 =	vperm.xlane v37, v5;
	v34 =	vadd.f32 v27, v34;
	v18 =	vld [tilespmem:s28+$0x140];
	[tilespmem:s29+$0x4F80] =	vst v26;
	s29 =	smov.u32 s26;
	s26 =	smov.u32 s25;
	(pc) =	sbr.rel @p0 .LBB2_5-.Ltmp1, $4  }
0x71: {  	v28 =	vperm.xlane v37, v6;
	v26 =	vperm.xlane v37, v7;
	s25 =	smov.u32 s28;
	v21 =	vld [tilespmem:s28+$0x150];
	[tilespmem:s29+$0x4F90] =	vst v22  }
0x72: {  	v31 =	vmul.f32 v17, v31;
	v17 =	vmovc v11;
	v11 =	vmov v32;
	v42 =	vmul.f32 $2.000000030e-01, v34;
	v22 =	vld [tilespmem:s25+$0x160];
	[tilespmem:s29+$0x4FA0] =	vst v37  }
0x73: {  	s30 =	sadd.s32 $0x10, s30;
	v30 =	vmul.f32 v35, v29;
	v32 =	vmul.f32 v16, v33;
	v16 =	vmovc v9;
	vm0 =	vge.f32 v34, $0.0e+00;
	v9 =	vmovc v39;
	v25 =	vld [tilespmem:s26+$0x170]  }
0x74: {  	v29 =	vmul.f32 v38, v41;
	s28 =	sshra.s32 s31, $0x2;
	s31 =	sadd.s32 $0x240, s31;
	v27 =	vld [tilespmem:s30+$0x0];
	v33 =	vsel vm0, v34, v42;
	[tilespmem:s29+$0x4F20] =	vst v31;
	v31 =	vmul.f32 v36, v40  }
0x75: {  	v34 =	vld [tilespmem:s28+$0x180]  }
0x76: {  	v33 =	vmul.f32 $1.442695020e+00, v33;
	[tilespmem:s29+$0x4F30] =	vst v32  }
0x77: {  	v24 =	vmul.f32 v24, v28;
	[tilespmem:s29+$0x4F40] =	vst v30  }
0x78: {  	v23 =	vmul.f32 v23, v26;
	v62 =	vpop (erf);
	[tilespmem:s29+$0x4F50] =	vst v31;
	(erf) = vpow2.f32 v33  }
0x79: {  	[tilespmem:s29+$0x4F60] =	vst v29;
	v63 =	vperm.xlane v62, v8;
	v33 =	vperm.xlane v62, v1  }
0x7a: {  	v35 =	vperm.xlane v62, v2;
	v36 =	vperm.xlane v62, v3;
	[tilespmem:s29+$0x4F70] =	vst v24;
	v27 =	vadd.f32 v27, v34  }
0x7b: {  	v37 =	vperm.xlane v62, v4;
	[tilespmem:s29+$0x4F80] =	vst v23;
	v25 =	vmul.f32 v25, v63  }
0x7c: {  	[tilespmem:s26+$0x4FA0] =	vst v62;
	v17 =	vmul.f32 v17, v33;
	v38 =	vmul.f32 $2.000000030e-01, v27  }
0x7d: {  	v39 =	vperm.xlane v62, v5;
	v16 =	vmul.f32 v16, v35;
	[tilespmem:s26+$0x4F90] =	vst v25;
	vm0 =	vge.f32 v27, $0.0e+00  }
0x7e: {  	v40 =	vperm.xlane v62, v6;
	v13 =	vmul.f32 v13, v36;
	[tilespmem:s26+$0x4F20] =	vst v17;
	v23 =	vsel vm0, v27, v38  }
0x7f: {  	v41 =	vld [tilespmem:s25+$0x170];
	v14 =	vmul.f32 v14, v37;
	[tilespmem:s26+$0x4F30] =	vst v16;
	v42 =	vmul.f32 $1.442695020e+00, v23  }
0x80: {  	v43 =	vperm.xlane v62, v7;
	v15 =	vmul.f32 v15, v39;
	[tilespmem:s26+$0x4F40] =	vst v13  }
0x81: {  	v12 =	vmul.f32 v12, v40;
	[tilespmem:s26+$0x4F50] =	vst v14;
	v44 =	vpop (erf);
	(erf) = vpow2.f32 v42  }
0x82: {  	v10 =	vmul.f32 v10, v43;
	[tilespmem:s26+$0x4F60] =	vst v15;
	v45 =	vperm.xlane v44, v8  }
0x83: {  	[tilespmem:s26+$0x4F70] =	vst v12;
	v46 =	vperm.xlane v44, v1  }
0x84: {  	[tilespmem:s26+$0x4F80] =	vst v10;
	v47 =	vperm.xlane v44, v2;
	v13 =	vmul.f32 v41, v45  }
0x85: {  	v10 =	vperm.xlane v44, v3;
	[tilespmem:s25+$0x4FA0] =	vst v44;
	v11 =	vmul.f32 v11, v46  }
0x86: {  	v49 =	vperm.xlane v44, v4;
	v9 =	vmul.f32 v9, v47;
	[tilespmem:s25+$0x4F90] =	vst v13  }
0x87: {  	v50 =	vperm.xlane v44, v5;
	v10 =	vmul.f32 v20, v10;
	[tilespmem:s25+$0x4F20] =	vst v11  }
0x88: {  	v51 =	vld [tilespmem:s28+$0x170];
	v52 =	vperm.xlane v44, v6;
	v14 =	vmul.f32 v19, v49;
	[tilespmem:s25+$0x4F30] =	vst v9  }
0x89: {  	v48 =	vld [tilespmem:s28+$0x100];
	v16 =	vperm.xlane v44, v7;
	v12 =	vmul.f32 v18, v50;
	[tilespmem:s25+$0x4F40] =	vst v10  }
0x8a: {  	v17 =	vmul.f32 v21, v52;
	v11 =	vld [tilespmem:s28+$0x110];
	[tilespmem:s25+$0x4F50] =	vst v14;
	v53 =	vpop (erf)  }
0x8b: {  	v16 =	vmul.f32 v22, v16;
	v9 =	vld [tilespmem:s28+$0x120];
	[tilespmem:s25+$0x4F60] =	vst v12;
	v54 =	vperm.xlane v53, v8  }
0x8c: {  	v10 =	vld [tilespmem:s28+$0x130];
	[tilespmem:s25+$0x4F70] =	vst v17;
	v57 =	vperm.xlane v53, v1  }
0x8d: {  	v55 =	vld [tilespmem:s28+$0x140];
	[tilespmem:s25+$0x4F80] =	vst v16;
	v59 =	vperm.xlane v53, v2;
	v15 =	vmul.f32 v51, v54  }
0x8e: {  	v56 =	vld [tilespmem:s28+$0x150];
	v60 =	vperm.xlane v53, v3;
	[tilespmem:s28+$0x4FA0] =	vst v53;
	v13 =	vmul.f32 v48, v57  }
0x8f: {  	v58 =	vld [tilespmem:s28+$0x160];
	v61 =	vperm.xlane v53, v4;
	v11 =	vmul.f32 v11, v59;
	[tilespmem:s28+$0x4F90] =	vst v15  }
0x90: {  	v62 =	vperm.xlane v53, v5;
	v9 =	vmul.f32 v9, v60;
	[tilespmem:s28+$0x4F20] =	vst v13  }
0x91: {  	v63 =	vperm.xlane v53, v6;
	v10 =	vmul.f32 v10, v61;
	[tilespmem:s28+$0x4F30] =	vst v11  }
0x92: {  	v14 =	vmul.f32 v55, v62;
	v11 =	vperm.xlane v53, v7;
	[tilespmem:s28+$0x4F40] =	vst v9  }
0x93: {  	v9 =	vmul.f32 v56, v63;
	[tilespmem:s28+$0x4F50] =	vst v10  }
0x94: {  	s24 =	sadd.s32 $0x1, s24;
	[tilespmem:s28+$0x4F60] =	vst v14;
	v10 =	vmul.f32 v58, v11  }
0x95: {  	p0 =	sne.s32 s24, $0x50;
	[tilespmem:s28+$0x4F70] =	vst v9  }
.Ltmp2:
0x96: {  	[tilespmem:s28+$0x4F80] =	vst v10;
	(pc) =	sbr.rel @p0 .LBB2_4-.Ltmp2, $4  }
0x97: {  	[spmem:s3] =	stream.indirect.scatter.add.f32 [tilespmem:s16], [sflag:$0x3], $0x90, s18, s19, $0xb8;
	[tilespmem:$0x1F500] =	vst v63  }
0x98: {  	_ =	swait.ge [sflag:s17], $0x4650  }
0x99: {  	[sflag:s17] =	ssyncset.done $0x0  }
0x9a: {  	[sflag:s17] =	ssyncadd.s32 $0xFFFFB9B0  }
0x9b: {  	s4 =	sadd.s32 $0x1, s4  }
0x9c: {  	s23 =	sshll.u32 s0, $0x6;
	[bflag:$0x0] =	sbarrier.arrive $0xFFFF;
	p0 =	sne.s32 s4, s15  }
.Ltmp3:
0x9d: {  	s24 =	sshrl.u32 s8, $0x3;
	s23 =	sor.u32 $0x1C03, s23;
	(pc) =	sbr.rel @p0 .LBB2_1-.Ltmp3, $4  }
0x9e: {  	[hbm:s14], [sflag:s23] =	dma.local [spmem:s24], $0x2BF2  }
0x9f: {  	_ =	swait.ge [sflag:s17], $0x2BF2  }
0xa0: {  	[sflag:s17] =	ssyncset.done $0x0  }
0xa1: {  	[sflag:s17] =	ssyncadd.s32 $0xFFFFD40E  }
0xa2: {  	_ =	sfence.sel $0x180000  }
0xa3: {  	[bflag:$0x0] =	sbarrier.arrive $0xFFFF  }
0xa4: {  	p0 =	sne.s32 s0, $0x0;
	_ =	strace $0x90000047  }
0xa5: {  	s0 =	sadd.s32 @!p0 $0x100000, s2;
	[bflag:$0x2] =	sbarrier.arrive $0xFFFF  }
0xa6: {  	[sflag:s0] =	ssyncadd.tile.s32 @!p0 $0x1;
	_ =	shalt  }
.Lfunc_end2:
_tile_overlayer_lowered:
.L_overlay_start_2:
0xa7: {  	(tag) =	ssettag $0x2  }
0xa8: {  	s0 =	rddreg [dreg:$0x0];
	s2 =	stileid.u32  }
0xa9: {  	s1 =	rddreg [dreg:$0x1];
	p0 =	sne.s32 s2, $0x0  }
0xaa: {  	s3 =	rddreg [dreg:$0x2];
	[bflag:$0x3] =	sbarrier.arrive $0xFFFF;
	s2 =	simm.s32 @!p0 $0x1C03  }
0xab: {  	[timem:s3], [sflag:s2] =	dma.local @!p0 [hbm:s0], s1  }
0xac: {  	s0 =	simm.s32 @!p0 $0x3  }
0xad: {  	_ =	swait.ge @!p0 [sflag:s0], s1  }
0xae: {  	s1 =	ssub.s32 @!p0 $0x0, s1;
	[sflag:s0] =	ssyncset.done @!p0 $0x0  }
0xaf: {  	[sflag:s0] =	ssyncadd.s32 @!p0 s1  }
0xb0: {  	[bflag:$0x3] =	sbarrier.arrive $0xFFFF  }
0xb1: {  	_ =	shalt  }

</sc_bundles>
